<compile_context>
chip_gen: v7x
topology: tpu7x:2x2x1
jax: 0.10.2.dev20260603
libtpu: 0.0.44.dev20260713+nightly
codegen_flags: <defaults>
</compile_context>

<pallas_src>
import functools

import jax
import jax.numpy as jnp
from jax import lax
from jax.experimental import pallas as pl
from jax.experimental.pallas import tpu as pltpu
from jax.experimental.pallas import tpu_sc as plsc

N_NODES = 10000
N_EDGES = 320000
D_FEAT = 128
D_OUT = 64
D_ACC = 64

NC = 2
NS = 16
L = 16
NW = NC * NS
E_PER_W = N_EDGES // NW
CHUNK = 80
N_CHUNKS = E_PER_W // CHUNK
NBUF = 5
N_GROUPS = N_CHUNKS // NBUF
N_PAD = 10240
RPS = N_PAD // NS
ZROWS = 128
assert CHUNK % L == 0 and E_PER_W % CHUNK == 0 and N_CHUNKS % NBUF == 0

_mesh = plsc.VectorSubcoreMesh(core_axis_name="c", subcore_axis_name="s")


D_PADOUT = 128


@functools.partial(
    pl.kernel,
    out_type=jax.ShapeDtypeStruct((NC, N_PAD, D_PADOUT), jnp.float32),
    mesh=_mesh,
    compiler_params=pltpu.CompilerParams(use_tc_tiling_on_sc=False,
                                         needs_layout_passes=False),
    scratch_types=[
        pltpu.VMEM((E_PER_W,), jnp.int32),
        [pltpu.VMEM((CHUNK,), jnp.int32) for _ in range(NBUF)],
        [pltpu.VMEM((CHUNK, D_ACC), jnp.float32) for _ in range(NBUF)],
        pltpu.VMEM((ZROWS, D_ACC), jnp.float32),
        pltpu.VMEM((N_PAD,), jnp.float32),
        pltpu.VMEM((NS, RPS), jnp.float32),
        pltpu.VMEM((RPS, L), jnp.float32),
        pltpu.VMEM_SHARED((N_PAD, D_ACC), jnp.float32),
        pltpu.VMEM_SHARED((NS, N_PAD), jnp.float32),
        [pltpu.SemaphoreType.DMA for _ in range(NBUF)],
        [pltpu.SemaphoreType.DMA for _ in range(NBUF)],
        [pltpu.SemaphoreType.DMA for _ in range(NBUF)],
    ],
)
def _sc_segment_sum(y2_hbm, idx_hbm, sum_hbm,
                    srcv, dv, rows, zbuf, degv, dred, dout,
                    acc_sh, deg_sh, gsem, ssem, isem):
    cid = lax.axis_index("c")
    sid = lax.axis_index("s")
    wid = sid * NC + cid

    def wait_rows(sem, buf):
        pltpu.make_async_copy(y2_hbm.at[pl.ds(0, CHUNK)], buf, sem).wait()

    def wait_idx(sem, buf):
        pltpu.make_async_copy(idx_hbm.at[pl.ds(0, CHUNK)], buf, sem).wait()

    @pl.loop(0, ZROWS)
    def _(i):
        @pl.loop(0, D_ACC, step=L)
        def _(j):
            zbuf.at[i, pl.ds(j, L)][...] = jnp.zeros((L,), jnp.float32)

    sbase = wid * E_PER_W
    dbase = N_EDGES + wid * E_PER_W
    for k in range(RPS // ZROWS):
        pltpu.async_copy(zbuf, acc_sh.at[pl.ds(sid * RPS + k * ZROWS, ZROWS)],
                         ssem[k % NBUF])
    pltpu.async_copy(idx_hbm.at[pl.ds(sbase, E_PER_W)], srcv, isem[0])

    @pl.loop(0, N_PAD, step=L)
    def _(i):
        degv.at[pl.ds(i, L)][...] = jnp.zeros((L,), jnp.float32)

    for k in range(RPS // ZROWS):
        pltpu.make_async_copy(y2_hbm.at[pl.ds(0, ZROWS)], zbuf,
                              ssem[k % NBUF]).wait()
    pltpu.make_async_copy(idx_hbm.at[pl.ds(0, E_PER_W)], srcv, isem[0]).wait()

    plsc.subcore_barrier()

    for b in range(NBUF):
        pltpu.async_copy(y2_hbm.at[srcv.at[pl.ds(b * CHUNK, CHUNK)]],
                         rows[b], gsem[b])
        pltpu.async_copy(idx_hbm.at[pl.ds(dbase + b * CHUNK, CHUNK)],
                         dv[b], isem[b])

    @pl.loop(0, N_GROUPS)
    def _(g):
        t0 = g * NBUF
        ones16 = jnp.ones((L,), jnp.float32)
        for b in range(NBUF):
            wait_rows(gsem[b], rows[b])
            wait_idx(isem[b], dv[b])
            pltpu.async_copy(rows[b], acc_sh.at[dv[b]], ssem[b], add=True)
            for k in range(CHUNK // L):
                plsc.addupdate_scatter(degv, [dv[b][pl.ds(k * L, L)]], ones16)

        @pl.when(g < N_GROUPS - 1)
        def _():
            for b in range(NBUF):
                wait_rows(ssem[b], rows[b])
                off = (t0 + NBUF + b) * CHUNK
                pltpu.async_copy(y2_hbm.at[srcv.at[pl.ds(off, CHUNK)]],
                                 rows[b], gsem[b])
                pltpu.async_copy(idx_hbm.at[pl.ds(dbase + off, CHUNK)],
                                 dv[b], isem[b])

    for b in range(NBUF):
        wait_rows(ssem[b], rows[b])

    pltpu.sync_copy(degv, deg_sh.at[sid])

    plsc.subcore_barrier()

    racc = pltpu.async_copy(
        acc_sh.at[pl.ds(sid * RPS, RPS)],
        sum_hbm.at[cid, pl.ds(sid * RPS, RPS), pl.ds(0, D_ACC)], gsem[0])

    pltpu.sync_copy(deg_sh.at[:, pl.ds(sid * RPS, RPS)], dred)
    iota16 = lax.iota(jnp.int32, L)
    zeros16i = jnp.zeros((L,), jnp.int32)

    @pl.loop(0, RPS, step=L)
    def _(j):
        acc = dred[0, pl.ds(j, L)]
        for rr in range(1, NS):
            acc = acc + dred[rr, pl.ds(j, L)]
        plsc.store_scatter(dout, [j + iota16, zeros16i], acc)

    pltpu.sync_copy(dout,
                    sum_hbm.at[cid, pl.ds(sid * RPS, RPS), pl.ds(D_OUT, L)])
    racc.wait()


_PRE_BLK = 2000
_POST_BLK = 2000


def _mm_body(wl_ref, x_ref, y2_ref):
    y2_ref[...] = lax.dot_general(x_ref[...], wl_ref[...],
                                  (((1,), (1,)), ((), ())),
                                  precision=lax.Precision.HIGHEST,
                                  preferred_element_type=jnp.float32)


def _mmb_body(wr_ref, b_ref, x_ref, r_ref):
    r_ref[...] = lax.dot_general(x_ref[...], wr_ref[...],
                                 (((1,), (1,)), ((), ())),
                                 precision=lax.Precision.HIGHEST,
                                 preferred_element_type=jnp.float32) + b_ref[...]


def _post_body(s_ref, r_ref, o_ref):
    s = s_ref[0, :, :D_OUT] + s_ref[1, :, :D_OUT]
    deg = jnp.maximum(s_ref[0, :, D_OUT:D_OUT + 1] + s_ref[1, :, D_OUT:D_OUT + 1],
                      1.0)
    o = s / deg + r_ref[...]
    m = jnp.max(o, axis=1, keepdims=True)
    e = o - m
    lse = jnp.log(jnp.sum(jnp.exp(e), axis=1, keepdims=True))
    o_ref[...] = e - lse


def kernel(x, index, W_l, W_r, b):
    idx_flat = index.astype(jnp.int32).reshape(-1)
    b2 = b.reshape(1, D_OUT).astype(jnp.float32)

    y2 = pl.pallas_call(
        _mm_body,
        grid=(N_NODES // _PRE_BLK,),
        in_specs=[
            pl.BlockSpec((D_OUT, D_FEAT), lambda i: (0, 0)),
            pl.BlockSpec((_PRE_BLK, D_FEAT), lambda i: (i, 0)),
        ],
        out_specs=pl.BlockSpec((_PRE_BLK, D_ACC), lambda i: (i, 0)),
        out_shape=jax.ShapeDtypeStruct((N_NODES, D_ACC), jnp.float32),
    )(W_l, x)

    sums = _sc_segment_sum(y2, idx_flat)

    r = pl.pallas_call(
        _mmb_body,
        grid=(N_NODES // _PRE_BLK,),
        in_specs=[
            pl.BlockSpec((D_OUT, D_FEAT), lambda i: (0, 0)),
            pl.BlockSpec((1, D_OUT), lambda i: (0, 0)),
            pl.BlockSpec((_PRE_BLK, D_FEAT), lambda i: (i, 0)),
        ],
        out_specs=pl.BlockSpec((_PRE_BLK, D_OUT), lambda i: (i, 0)),
        out_shape=jax.ShapeDtypeStruct((N_NODES, D_OUT), jnp.float32),
    )(W_r, b2, x)

    out = pl.pallas_call(
        _post_body,
        grid=(N_NODES // _POST_BLK,),
        in_specs=[
            pl.BlockSpec((NC, _POST_BLK, D_PADOUT), lambda i: (0, i, 0)),
            pl.BlockSpec((_POST_BLK, D_OUT), lambda i: (i, 0)),
        ],
        out_specs=pl.BlockSpec((_POST_BLK, D_OUT), lambda i: (i, 0)),
        out_shape=jax.ShapeDtypeStruct((N_NODES, D_OUT), jnp.float32),
        input_output_aliases={1: 0},
    )(sums, r)

    return out

# --- scband reference (transcript-rebuilt; emitter-appended) ---
"""Pipeline reference for scband-net-2697239462706 (READ-ONLY COPY).

The authoritative reference and input builder live on the scoring server;
editing this copy changes nothing except your own understanding.
"""

import jax, jax.numpy as jnp
import numpy as np

N_NODES = 10000
N_EDGES = 320000
D_FEAT = 128
D_OUT = 64

def setup_inputs(seed: int = 0) -> dict:
    key = jax.random.key(seed)
    k1, k2, k3, k4, k5 = jax.random.split(key, 5)
    x = jax.random.normal(k1, (N_NODES, D_FEAT), dtype=jnp.float32)
    index = jax.random.randint(k2, (2, N_EDGES), 0, N_NODES, dtype=jnp.int64)
    # SAGEConv parameters: lin_l (applied to aggregated neighbors, carries bias), lin_r (root/self)
    scale = 1.0 / np.sqrt(D_FEAT)
    W_l = jax.random.uniform(k3, (D_OUT, D_FEAT), dtype=jnp.float32, minval=-scale, maxval=scale)
    W_r = jax.random.uniform(k4, (D_OUT, D_FEAT), dtype=jnp.float32, minval=-scale, maxval=scale)
    b = jax.random.uniform(k5, (D_OUT,), dtype=jnp.float32, minval=-scale, maxval=scale)
    return {"x": x, "index": index, "W_l": W_l, "W_r": W_r, "b": b}

def reference(x, index, W_l, W_r, b):
    # GraphSAGE (mean aggregation) conv followed by log_softmax, matching
    # out = lin_l(mean_{j in N(i)} x_j) + lin_r(x_i); F.log_softmax(out, dim=1)
    src = index[0]
    dst = index[1]
    msg = jnp.take(x, src, axis=0)                      # gather: [E, d_feat]
    agg = jax.ops.segment_sum(msg, dst, num_segments=N_NODES)   # scatter-add
    deg = jax.ops.segment_sum(jnp.ones((msg.shape[0],), dtype=x.dtype), dst, num_segments=N_NODES)
    agg = agg / jnp.clip(deg, 1.0, None)[:, None]        # mean aggregation
    out = agg @ W_l.T + x @ W_r.T + b
    return jax.nn.log_softmax(out, axis=1)

if __name__ == "__main__":
    import jax
    _d = setup_inputs()
    print(jax.jit(kernel)(*tuple(_d.values())))

</pallas_src>

<mosaic_0001>
#map = affine_map<(d0, d1) -> (0, 0)>
#map1 = affine_map<(d0, d1) -> (0)>
#map2 = affine_map<(d0, d1) -> (0, 0, 0)>
module attributes {stable_mosaic.version = 14 : i64} {
  func.func @_sc_segment_sum(%arg0: i32, %arg1: i32, %arg2: memref<10000x64xf32, #tpu.memory_space<hbm>>, %arg3: memref<640000xi32, #tpu.memory_space<hbm>>, %arg4: memref<2x10240x128xf32, #tpu.memory_space<hbm>>, %arg5: memref<10000xi32, #tpu.memory_space<vmem>>, %arg6: memref<80xi32, #tpu.memory_space<vmem>>, %arg7: memref<80xi32, #tpu.memory_space<vmem>>, %arg8: memref<80xi32, #tpu.memory_space<vmem>>, %arg9: memref<80xi32, #tpu.memory_space<vmem>>, %arg10: memref<80xi32, #tpu.memory_space<vmem>>, %arg11: memref<80x64xf32, #tpu.memory_space<vmem>>, %arg12: memref<80x64xf32, #tpu.memory_space<vmem>>, %arg13: memref<80x64xf32, #tpu.memory_space<vmem>>, %arg14: memref<80x64xf32, #tpu.memory_space<vmem>>, %arg15: memref<80x64xf32, #tpu.memory_space<vmem>>, %arg16: memref<128x64xf32, #tpu.memory_space<vmem>>, %arg17: memref<10240xf32, #tpu.memory_space<vmem>>, %arg18: memref<16x640xf32, #tpu.memory_space<vmem>>, %arg19: memref<640x16xf32, #tpu.memory_space<vmem>>, %arg20: memref<10240x64xf32, #tpu.memory_space<vmem_shared>>, %arg21: memref<16x10240xf32, #tpu.memory_space<vmem_shared>>, %arg22: memref<!tpu.dma_semaphore, #tpu.memory_space<semaphore_mem>>, %arg23: memref<!tpu.dma_semaphore, #tpu.memory_space<semaphore_mem>>, %arg24: memref<!tpu.dma_semaphore, #tpu.memory_space<semaphore_mem>>, %arg25: memref<!tpu.dma_semaphore, #tpu.memory_space<semaphore_mem>>, %arg26: memref<!tpu.dma_semaphore, #tpu.memory_space<semaphore_mem>>, %arg27: memref<!tpu.dma_semaphore, #tpu.memory_space<semaphore_mem>>, %arg28: memref<!tpu.dma_semaphore, #tpu.memory_space<semaphore_mem>>, %arg29: memref<!tpu.dma_semaphore, #tpu.memory_space<semaphore_mem>>, %arg30: memref<!tpu.dma_semaphore, #tpu.memory_space<semaphore_mem>>, %arg31: memref<!tpu.dma_semaphore, #tpu.memory_space<semaphore_mem>>, %arg32: memref<!tpu.dma_semaphore, #tpu.memory_space<semaphore_mem>>, %arg33: memref<!tpu.dma_semaphore, #tpu.memory_space<semaphore_mem>>, %arg34: memref<!tpu.dma_semaphore, #tpu.memory_space<semaphore_mem>>, %arg35: memref<!tpu.dma_semaphore, #tpu.memory_space<semaphore_mem>>, %arg36: memref<!tpu.dma_semaphore, #tpu.memory_space<semaphore_mem>>) attributes {dimension_semantics = [#tpu.dimension_semantics<core_parallel>, #tpu.dimension_semantics<subcore_parallel>], iteration_bounds = array<i64: 2, 16>, scalar_prefetch = 0 : i64, scratch_operands = 32 : i64, tpu.core_type = #tpu.core_type<sc_vector_subcore>, window_params = [{transform_indices = #map}, {transform_indices = #map1}, {transform_indices = #map2}]} {
    %mul3A = arith.constant 2 : i32
    %mul3A_0 = arith.muli %arg1, %mul3A : i32
    %add3A = arith.addi %mul3A_0, %arg0 : i32
    %scan3A = arith.constant 0 : i32
    %scan3A_1 = arith.constant 128 : i32
    %scan3A_2 = arith.addi %scan3A, %scan3A_1 : i32
    %scan3A_3 = arith.constant 1 : i32
    scf.for %scan3A_195 = %scan3A to %scan3A_2 step %scan3A_3  : i32 {
      %mul3A_196 = arith.constant 1 : i32
      %mul3A_197 = arith.muli %scan3A_195, %mul3A_196 : i32
      %add3A_198 = arith.constant 0 : i32
      %add3A_199 = arith.addi %add3A_198, %mul3A_197 : i32
      %scan3A_200 = arith.constant 0 : i32
      %scan3A_201 = arith.constant 4 : i32
      %scan3A_202 = arith.addi %scan3A_200, %scan3A_201 : i32
      %scan3A_203 = arith.constant 1 : i32
      scf.for %scan3A_205 = %scan3A_200 to %scan3A_202 step %scan3A_203  : i32 {
        %mul3A_206 = arith.constant 16 : i32
        %mul3A_207 = arith.muli %scan3A_205, %mul3A_206 : i32
        %add3A_208 = arith.constant 0 : i32
        %add3A_209 = arith.addi %add3A_208, %mul3A_207 : i32
        %broadcast_in_dim3A_210 = arith.constant 0.000000e+00 : f32
        %broadcast_in_dim3A_211 = vector.broadcast %broadcast_in_dim3A_210 : f32 to vector<16xf32>
        %swap3A = arith.index_cast %add3A_199 : i32 to index
        %swap3A_212 = arith.index_cast %add3A_209 : i32 to index
        %swap3A_213 = tpu.vector_load %arg16[%swap3A, %swap3A_212] {strides = array<i32>} : memref<128x64xf32, #tpu.memory_space<vmem>>, vector<16xf32>,
        tpu.vector_store %arg16[%swap3A, %swap3A_212], %broadcast_in_dim3A_211 {strides = array<i32>} : memref<128x64xf32, #tpu.memory_space<vmem>>, vector<16xf32>,
      }
      %scan3A_204 = arith.constant 4 : i32
    }
    %scan3A_4 = arith.constant 128 : i32
    %mul3A_5 = arith.constant 10000 : i32
    %mul3A_6 = arith.muli %add3A, %mul3A_5 : i32
    %mul3A_7 = arith.constant 10000 : i32
    %mul3A_8 = arith.muli %add3A, %mul3A_7 : i32
    %add3A_9 = arith.constant 320000 : i32
    %add3A_10 = arith.addi %add3A_9, %mul3A_8 : i32
    %mul3A_11 = arith.constant 640 : i32
    %mul3A_12 = arith.muli %arg1, %mul3A_11 : i32
    %add3A_13 = arith.constant 0 : i32
    %add3A_14 = arith.addi %mul3A_12, %add3A_13 : i32
    %dma_start3A = arith.constant 0 : i32
    %dma_start3A_15 = tpu.memref_slice %arg20[%add3A_14, %dma_start3A] : memref<10240x64xf32, #tpu.memory_space<vmem_shared>> -> memref<128x64xf32, #tpu.memory_space<vmem_shared>>
    %dma_start3A_16 = arith.constant 0 : i32
    %dma_start3A_17 = tpu.memref_slice %arg20[%add3A_14, %dma_start3A_16] : memref<10240x64xf32, #tpu.memory_space<vmem_shared>> -> memref<128x64xf32, #tpu.memory_space<vmem_shared>>
    tpu.enqueue_dma source(%arg16 : memref<128x64xf32, #tpu.memory_space<vmem>>) target(%dma_start3A_17 : memref<128x64xf32, #tpu.memory_space<vmem_shared>>) target_semaphore(%arg27 : memref<!tpu.dma_semaphore, #tpu.memory_space<semaphore_mem>>)
    %mul3A_18 = arith.constant 640 : i32
    %mul3A_19 = arith.muli %arg1, %mul3A_18 : i32
    %add3A_20 = arith.constant 128 : i32
    %add3A_21 = arith.addi %mul3A_19, %add3A_20 : i32
    %dma_start3A_22 = arith.constant 0 : i32
    %dma_start3A_23 = tpu.memref_slice %arg20[%add3A_21, %dma_start3A_22] : memref<10240x64xf32, #tpu.memory_space<vmem_shared>> -> memref<128x64xf32, #tpu.memory_space<vmem_shared>>
    %dma_start3A_24 = arith.constant 0 : i32
    %dma_start3A_25 = tpu.memref_slice %arg20[%add3A_21, %dma_start3A_24] : memref<10240x64xf32, #tpu.memory_space<vmem_shared>> -> memref<128x64xf32, #tpu.memory_space<vmem_shared>>
    tpu.enqueue_dma source(%arg16 : memref<128x64xf32, #tpu.memory_space<vmem>>) target(%dma_start3A_25 : memref<128x64xf32, #tpu.memory_space<vmem_shared>>) target_semaphore(%arg28 : memref<!tpu.dma_semaphore, #tpu.memory_space<semaphore_mem>>)
    %mul3A_26 = arith.constant 640 : i32
    %mul3A_27 = arith.muli %arg1, %mul3A_26 : i32
    %add3A_28 = arith.constant 256 : i32
    %add3A_29 = arith.addi %mul3A_27, %add3A_28 : i32
    %dma_start3A_30 = arith.constant 0 : i32
    %dma_start3A_31 = tpu.memref_slice %arg20[%add3A_29, %dma_start3A_30] : memref<10240x64xf32, #tpu.memory_space<vmem_shared>> -> memref<128x64xf32, #tpu.memory_space<vmem_shared>>
    %dma_start3A_32 = arith.constant 0 : i32
    %dma_start3A_33 = tpu.memref_slice %arg20[%add3A_29, %dma_start3A_32] : memref<10240x64xf32, #tpu.memory_space<vmem_shared>> -> memref<128x64xf32, #tpu.memory_space<vmem_shared>>
    tpu.enqueue_dma source(%arg16 : memref<128x64xf32, #tpu.memory_space<vmem>>) target(%dma_start3A_33 : memref<128x64xf32, #tpu.memory_space<vmem_shared>>) target_semaphore(%arg29 : memref<!tpu.dma_semaphore, #tpu.memory_space<semaphore_mem>>)
    %mul3A_34 = arith.constant 640 : i32
    %mul3A_35 = arith.muli %arg1, %mul3A_34 : i32
    %add3A_36 = arith.constant 384 : i32
    %add3A_37 = arith.addi %mul3A_35, %add3A_36 : i32
    %dma_start3A_38 = arith.constant 0 : i32
    %dma_start3A_39 = tpu.memref_slice %arg20[%add3A_37, %dma_start3A_38] : memref<10240x64xf32, #tpu.memory_space<vmem_shared>> -> memref<128x64xf32, #tpu.memory_space<vmem_shared>>
    %dma_start3A_40 = arith.constant 0 : i32
    %dma_start3A_41 = tpu.memref_slice %arg20[%add3A_37, %dma_start3A_40] : memref<10240x64xf32, #tpu.memory_space<vmem_shared>> -> memref<128x64xf32, #tpu.memory_space<vmem_shared>>
    tpu.enqueue_dma source(%arg16 : memref<128x64xf32, #tpu.memory_space<vmem>>) target(%dma_start3A_41 : memref<128x64xf32, #tpu.memory_space<vmem_shared>>) target_semaphore(%arg30 : memref<!tpu.dma_semaphore, #tpu.memory_space<semaphore_mem>>)
    %mul3A_42 = arith.constant 640 : i32
    %mul3A_43 = arith.muli %arg1, %mul3A_42 : i32
    %add3A_44 = arith.constant 512 : i32
    %add3A_45 = arith.addi %mul3A_43, %add3A_44 : i32
    %dma_start3A_46 = arith.constant 0 : i32
    %dma_start3A_47 = tpu.memref_slice %arg20[%add3A_45, %dma_start3A_46] : memref<10240x64xf32, #tpu.memory_space<vmem_shared>> -> memref<128x64xf32, #tpu.memory_space<vmem_shared>>
    %dma_start3A_48 = arith.constant 0 : i32
    %dma_start3A_49 = tpu.memref_slice %arg20[%add3A_45, %dma_start3A_48] : memref<10240x64xf32, #tpu.memory_space<vmem_shared>> -> memref<128x64xf32, #tpu.memory_space<vmem_shared>>
    tpu.enqueue_dma source(%arg16 : memref<128x64xf32, #tpu.memory_space<vmem>>) target(%dma_start3A_49 : memref<128x64xf32, #tpu.memory_space<vmem_shared>>) target_semaphore(%arg31 : memref<!tpu.dma_semaphore, #tpu.memory_space<semaphore_mem>>)
    %dma_start3A_50 = tpu.memref_slice %arg3[%mul3A_6] : memref<640000xi32, #tpu.memory_space<hbm>> -> memref<10000xi32, #tpu.memory_space<hbm>>
    %dma_start3A_51 = tpu.memref_slice %arg3[%mul3A_6] : memref<640000xi32, #tpu.memory_space<hbm>> -> memref<10000xi32, #tpu.memory_space<hbm>>
    tpu.enqueue_dma source(%dma_start3A_51 : memref<10000xi32, #tpu.memory_space<hbm>>) target(%arg5 : memref<10000xi32, #tpu.memory_space<vmem>>) target_semaphore(%arg32 : memref<!tpu.dma_semaphore, #tpu.memory_space<semaphore_mem>>)
    %scan3A_52 = arith.constant 0 : i32
    %scan3A_53 = arith.constant 640 : i32
    %scan3A_54 = arith.addi %scan3A_52, %scan3A_53 : i32
    %scan3A_55 = arith.constant 1 : i32
    scf.for %scan3A_195 = %scan3A_52 to %scan3A_54 step %scan3A_55  : i32 {
      %mul3A_196 = arith.constant 16 : i32
      %mul3A_197 = arith.muli %scan3A_195, %mul3A_196 : i32
      %add3A_198 = arith.constant 0 : i32
      %add3A_199 = arith.addi %add3A_198, %mul3A_197 : i32
      %broadcast_in_dim3A_200 = arith.constant 0.000000e+00 : f32
      %broadcast_in_dim3A_201 = vector.broadcast %broadcast_in_dim3A_200 : f32 to vector<16xf32>
      %swap3A = arith.index_cast %add3A_199 : i32 to index
      %swap3A_202 = tpu.vector_load %arg17[%swap3A] {strides = array<i32>} : memref<10240xf32, #tpu.memory_space<vmem>>, vector<16xf32>,
      tpu.vector_store %arg17[%swap3A], %broadcast_in_dim3A_201 {strides = array<i32>} : memref<10240xf32, #tpu.memory_space<vmem>>, vector<16xf32>,
    }
    %scan3A_56 = arith.constant 640 : i32
    %dma_wait3A = arith.constant 0 : i32
    %dma_wait3A_57 = arith.constant 0 : i32
    %dma_wait3A_58 = tpu.memref_slice %arg2[%dma_wait3A, %dma_wait3A_57] : memref<10000x64xf32, #tpu.memory_space<hbm>> -> memref<128x64xf32, #tpu.memory_space<hbm>>
    %dma_wait3A_59 = arith.constant 0 : i32
    %dma_wait3A_60 = arith.constant 0 : i32
    %dma_wait3A_61 = tpu.memref_slice %arg2[%dma_wait3A_59, %dma_wait3A_60] : memref<10000x64xf32, #tpu.memory_space<hbm>> -> memref<128x64xf32, #tpu.memory_space<hbm>>
    tpu.wait_dma2 semaphore(%arg27 : memref<!tpu.dma_semaphore, #tpu.memory_space<semaphore_mem>>) src(%dma_wait3A_61 : memref<128x64xf32, #tpu.memory_space<hbm>>) dst(%arg16 : memref<128x64xf32, #tpu.memory_space<vmem>>)
    %dma_wait3A_62 = arith.constant 0 : i32
    %dma_wait3A_63 = arith.constant 0 : i32
    %dma_wait3A_64 = tpu.memref_slice %arg2[%dma_wait3A_62, %dma_wait3A_63] : memref<10000x64xf32, #tpu.memory_space<hbm>> -> memref<128x64xf32, #tpu.memory_space<hbm>>
    %dma_wait3A_65 = arith.constant 0 : i32
    %dma_wait3A_66 = arith.constant 0 : i32
    %dma_wait3A_67 = tpu.memref_slice %arg2[%dma_wait3A_65, %dma_wait3A_66] : memref<10000x64xf32, #tpu.memory_space<hbm>> -> memref<128x64xf32, #tpu.memory_space<hbm>>
    tpu.wait_dma2 semaphore(%arg28 : memref<!tpu.dma_semaphore, #tpu.memory_space<semaphore_mem>>) src(%dma_wait3A_67 : memref<128x64xf32, #tpu.memory_space<hbm>>) dst(%arg16 : memref<128x64xf32, #tpu.memory_space<vmem>>)
    %dma_wait3A_68 = arith.constant 0 : i32
    %dma_wait3A_69 = arith.constant 0 : i32
    %dma_wait3A_70 = tpu.memref_slice %arg2[%dma_wait3A_68, %dma_wait3A_69] : memref<10000x64xf32, #tpu.memory_space<hbm>> -> memref<128x64xf32, #tpu.memory_space<hbm>>
    %dma_wait3A_71 = arith.constant 0 : i32
    %dma_wait3A_72 = arith.constant 0 : i32
    %dma_wait3A_73 = tpu.memref_slice %arg2[%dma_wait3A_71, %dma_wait3A_72] : memref<10000x64xf32, #tpu.memory_space<hbm>> -> memref<128x64xf32, #tpu.memory_space<hbm>>
    tpu.wait_dma2 semaphore(%arg29 : memref<!tpu.dma_semaphore, #tpu.memory_space<semaphore_mem>>) src(%dma_wait3A_73 : memref<128x64xf32, #tpu.memory_space<hbm>>) dst(%arg16 : memref<128x64xf32, #tpu.memory_space<vmem>>)
    %dma_wait3A_74 = arith.constant 0 : i32
    %dma_wait3A_75 = arith.constant 0 : i32
    %dma_wait3A_76 = tpu.memref_slice %arg2[%dma_wait3A_74, %dma_wait3A_75] : memref<10000x64xf32, #tpu.memory_space<hbm>> -> memref<128x64xf32, #tpu.memory_space<hbm>>
    %dma_wait3A_77 = arith.constant 0 : i32
    %dma_wait3A_78 = arith.constant 0 : i32
    %dma_wait3A_79 = tpu.memref_slice %arg2[%dma_wait3A_77, %dma_wait3A_78] : memref<10000x64xf32, #tpu.memory_space<hbm>> -> memref<128x64xf32, #tpu.memory_space<hbm>>
    tpu.wait_dma2 semaphore(%arg30 : memref<!tpu.dma_semaphore, #tpu.memory_space<semaphore_mem>>) src(%dma_wait3A_79 : memref<128x64xf32, #tpu.memory_space<hbm>>) dst(%arg16 : memref<128x64xf32, #tpu.memory_space<vmem>>)
    %dma_wait3A_80 = arith.constant 0 : i32
    %dma_wait3A_81 = arith.constant 0 : i32
    %dma_wait3A_82 = tpu.memref_slice %arg2[%dma_wait3A_80, %dma_wait3A_81] : memref<10000x64xf32, #tpu.memory_space<hbm>> -> memref<128x64xf32, #tpu.memory_space<hbm>>
    %dma_wait3A_83 = arith.constant 0 : i32
    %dma_wait3A_84 = arith.constant 0 : i32
    %dma_wait3A_85 = tpu.memref_slice %arg2[%dma_wait3A_83, %dma_wait3A_84] : memref<10000x64xf32, #tpu.memory_space<hbm>> -> memref<128x64xf32, #tpu.memory_space<hbm>>
    tpu.wait_dma2 semaphore(%arg31 : memref<!tpu.dma_semaphore, #tpu.memory_space<semaphore_mem>>) src(%dma_wait3A_85 : memref<128x64xf32, #tpu.memory_space<hbm>>) dst(%arg16 : memref<128x64xf32, #tpu.memory_space<vmem>>)
    %dma_wait3A_86 = arith.constant 0 : i32
    %dma_wait3A_87 = tpu.memref_slice %arg3[%dma_wait3A_86] : memref<640000xi32, #tpu.memory_space<hbm>> -> memref<10000xi32, #tpu.memory_space<hbm>>
    %dma_wait3A_88 = arith.constant 0 : i32
    %dma_wait3A_89 = tpu.memref_slice %arg3[%dma_wait3A_88] : memref<640000xi32, #tpu.memory_space<hbm>> -> memref<10000xi32, #tpu.memory_space<hbm>>
    tpu.wait_dma2 semaphore(%arg32 : memref<!tpu.dma_semaphore, #tpu.memory_space<semaphore_mem>>) src(%dma_wait3A_89 : memref<10000xi32, #tpu.memory_space<hbm>>) dst(%arg5 : memref<10000xi32, #tpu.memory_space<vmem>>)
    %barrier3A = arith.constant 0 : index
    tpu.barrier barrier_id(%barrier3A)
    %dma_start3A_90 = arith.constant 0 : i32
    %dma_start3A_91 = tpu.memref_slice %arg5[%dma_start3A_90] : memref<10000xi32, #tpu.memory_space<vmem>> -> memref<80xi32, #tpu.memory_space<vmem>>
    %dma_start3A_92 = arith.constant 0 : i32
    %dma_start3A_93 = arith.constant 0 : i32
    %dma_start3A_94 = tpu.memref_slice %arg2[%dma_start3A_92, %dma_start3A_93] : memref<10000x64xf32, #tpu.memory_space<hbm>> -> memref<10000x64xf32, #tpu.memory_space<hbm>>
    tpu.enqueue_indirect_dma source(%dma_start3A_94 : memref<10000x64xf32, #tpu.memory_space<hbm>>) target(%arg11 : memref<80x64xf32, #tpu.memory_space<vmem>>) offsets(%dma_start3A_91 : memref<80xi32, #tpu.memory_space<vmem>>) semaphore(%arg22 : memref<!tpu.dma_semaphore, #tpu.memory_space<semaphore_mem>>)
    %add3A_95 = arith.constant 0 : i32
    %add3A_96 = arith.addi %add3A_10, %add3A_95 : i32
    %dma_start3A_97 = tpu.memref_slice %arg3[%add3A_96] : memref<640000xi32, #tpu.memory_space<hbm>> -> memref<80xi32, #tpu.memory_space<hbm>>
    %dma_start3A_98 = tpu.memref_slice %arg3[%add3A_96] : memref<640000xi32, #tpu.memory_space<hbm>> -> memref<80xi32, #tpu.memory_space<hbm>>
    tpu.enqueue_dma source(%dma_start3A_98 : memref<80xi32, #tpu.memory_space<hbm>>) target(%arg6 : memref<80xi32, #tpu.memory_space<vmem>>) target_semaphore(%arg32 : memref<!tpu.dma_semaphore, #tpu.memory_space<semaphore_mem>>)
    %dma_start3A_99 = arith.constant 80 : i32
    %dma_start3A_100 = tpu.memref_slice %arg5[%dma_start3A_99] : memref<10000xi32, #tpu.memory_space<vmem>> -> memref<80xi32, #tpu.memory_space<vmem>>
    %dma_start3A_101 = arith.constant 0 : i32
    %dma_start3A_102 = arith.constant 0 : i32
    %dma_start3A_103 = tpu.memref_slice %arg2[%dma_start3A_101, %dma_start3A_102] : memref<10000x64xf32, #tpu.memory_space<hbm>> -> memref<10000x64xf32, #tpu.memory_space<hbm>>
    tpu.enqueue_indirect_dma source(%dma_start3A_103 : memref<10000x64xf32, #tpu.memory_space<hbm>>) target(%arg12 : memref<80x64xf32, #tpu.memory_space<vmem>>) offsets(%dma_start3A_100 : memref<80xi32, #tpu.memory_space<vmem>>) semaphore(%arg23 : memref<!tpu.dma_semaphore, #tpu.memory_space<semaphore_mem>>)
    %add3A_104 = arith.constant 80 : i32
    %add3A_105 = arith.addi %add3A_10, %add3A_104 : i32
    %dma_start3A_106 = tpu.memref_slice %arg3[%add3A_105] : memref<640000xi32, #tpu.memory_space<hbm>> -> memref<80xi32, #tpu.memory_space<hbm>>
    %dma_start3A_107 = tpu.memref_slice %arg3[%add3A_105] : memref<640000xi32, #tpu.memory_space<hbm>> -> memref<80xi32, #tpu.memory_space<hbm>>
    tpu.enqueue_dma source(%dma_start3A_107 : memref<80xi32, #tpu.memory_space<hbm>>) target(%arg7 : memref<80xi32, #tpu.memory_space<vmem>>) target_semaphore(%arg33 : memref<!tpu.dma_semaphore, #tpu.memory_space<semaphore_mem>>)
    %dma_start3A_108 = arith.constant 160 : i32
    %dma_start3A_109 = tpu.memref_slice %arg5[%dma_start3A_108] : memref<10000xi32, #tpu.memory_space<vmem>> -> memref<80xi32, #tpu.memory_space<vmem>>
    %dma_start3A_110 = arith.constant 0 : i32
    %dma_start3A_111 = arith.constant 0 : i32
    %dma_start3A_112 = tpu.memref_slice %arg2[%dma_start3A_110, %dma_start3A_111] : memref<10000x64xf32, #tpu.memory_space<hbm>> -> memref<10000x64xf32, #tpu.memory_space<hbm>>
    tpu.enqueue_indirect_dma source(%dma_start3A_112 : memref<10000x64xf32, #tpu.memory_space<hbm>>) target(%arg13 : memref<80x64xf32, #tpu.memory_space<vmem>>) offsets(%dma_start3A_109 : memref<80xi32, #tpu.memory_space<vmem>>) semaphore(%arg24 : memref<!tpu.dma_semaphore, #tpu.memory_space<semaphore_mem>>)
    %add3A_113 = arith.constant 160 : i32
    %add3A_114 = arith.addi %add3A_10, %add3A_113 : i32
    %dma_start3A_115 = tpu.memref_slice %arg3[%add3A_114] : memref<640000xi32, #tpu.memory_space<hbm>> -> memref<80xi32, #tpu.memory_space<hbm>>
    %dma_start3A_116 = tpu.memref_slice %arg3[%add3A_114] : memref<640000xi32, #tpu.memory_space<hbm>> -> memref<80xi32, #tpu.memory_space<hbm>>
    tpu.enqueue_dma source(%dma_start3A_116 : memref<80xi32, #tpu.memory_space<hbm>>) target(%arg8 : memref<80xi32, #tpu.memory_space<vmem>>) target_semaphore(%arg34 : memref<!tpu.dma_semaphore, #tpu.memory_space<semaphore_mem>>)
    %dma_start3A_117 = arith.constant 240 : i32
    %dma_start3A_118 = tpu.memref_slice %arg5[%dma_start3A_117] : memref<10000xi32, #tpu.memory_space<vmem>> -> memref<80xi32, #tpu.memory_space<vmem>>
    %dma_start3A_119 = arith.constant 0 : i32
    %dma_start3A_120 = arith.constant 0 : i32
    %dma_start3A_121 = tpu.memref_slice %arg2[%dma_start3A_119, %dma_start3A_120] : memref<10000x64xf32, #tpu.memory_space<hbm>> -> memref<10000x64xf32, #tpu.memory_space<hbm>>
    tpu.enqueue_indirect_dma source(%dma_start3A_121 : memref<10000x64xf32, #tpu.memory_space<hbm>>) target(%arg14 : memref<80x64xf32, #tpu.memory_space<vmem>>) offsets(%dma_start3A_118 : memref<80xi32, #tpu.memory_space<vmem>>) semaphore(%arg25 : memref<!tpu.dma_semaphore, #tpu.memory_space<semaphore_mem>>)
    %add3A_122 = arith.constant 240 : i32
    %add3A_123 = arith.addi %add3A_10, %add3A_122 : i32
    %dma_start3A_124 = tpu.memref_slice %arg3[%add3A_123] : memref<640000xi32, #tpu.memory_space<hbm>> -> memref<80xi32, #tpu.memory_space<hbm>>
    %dma_start3A_125 = tpu.memref_slice %arg3[%add3A_123] : memref<640000xi32, #tpu.memory_space<hbm>> -> memref<80xi32, #tpu.memory_space<hbm>>
    tpu.enqueue_dma source(%dma_start3A_125 : memref<80xi32, #tpu.memory_space<hbm>>) target(%arg9 : memref<80xi32, #tpu.memory_space<vmem>>) target_semaphore(%arg35 : memref<!tpu.dma_semaphore, #tpu.memory_space<semaphore_mem>>)
    %dma_start3A_126 = arith.constant 320 : i32
    %dma_start3A_127 = tpu.memref_slice %arg5[%dma_start3A_126] : memref<10000xi32, #tpu.memory_space<vmem>> -> memref<80xi32, #tpu.memory_space<vmem>>
    %dma_start3A_128 = arith.constant 0 : i32
    %dma_start3A_129 = arith.constant 0 : i32
    %dma_start3A_130 = tpu.memref_slice %arg2[%dma_start3A_128, %dma_start3A_129] : memref<10000x64xf32, #tpu.memory_space<hbm>> -> memref<10000x64xf32, #tpu.memory_space<hbm>>
    tpu.enqueue_indirect_dma source(%dma_start3A_130 : memref<10000x64xf32, #tpu.memory_space<hbm>>) target(%arg15 : memref<80x64xf32, #tpu.memory_space<vmem>>) offsets(%dma_start3A_127 : memref<80xi32, #tpu.memory_space<vmem>>) semaphore(%arg26 : memref<!tpu.dma_semaphore, #tpu.memory_space<semaphore_mem>>)
    %add3A_131 = arith.constant 320 : i32
    %add3A_132 = arith.addi %add3A_10, %add3A_131 : i32
    %dma_start3A_133 = tpu.memref_slice %arg3[%add3A_132] : memref<640000xi32, #tpu.memory_space<hbm>> -> memref<80xi32, #tpu.memory_space<hbm>>
    %dma_start3A_134 = tpu.memref_slice %arg3[%add3A_132] : memref<640000xi32, #tpu.memory_space<hbm>> -> memref<80xi32, #tpu.memory_space<hbm>>
    tpu.enqueue_dma source(%dma_start3A_134 : memref<80xi32, #tpu.memory_space<hbm>>) target(%arg10 : memref<80xi32, #tpu.memory_space<vmem>>) target_semaphore(%arg36 : memref<!tpu.dma_semaphore, #tpu.memory_space<semaphore_mem>>)
    %scan3A_135 = arith.constant 0 : i32
    %scan3A_136 = arith.constant 25 : i32
    %scan3A_137 = arith.addi %scan3A_135, %scan3A_136 : i32
    %scan3A_138 = arith.constant 1 : i32
    scf.for %scan3A_195 = %scan3A_135 to %scan3A_137 step %scan3A_138  : i32 {
      %mul3A_196 = arith.constant 1 : i32
      %mul3A_197 = arith.muli %scan3A_195, %mul3A_196 : i32
      %add3A_198 = arith.constant 0 : i32
      %add3A_199 = arith.addi %add3A_198, %mul3A_197 : i32
      %mul3A_200 = arith.constant 5 : i32
      %mul3A_201 = arith.muli %add3A_199, %mul3A_200 : i32
      %broadcast_in_dim3A_202 = arith.constant 1.000000e+00 : f32
      %broadcast_in_dim3A_203 = vector.broadcast %broadcast_in_dim3A_202 : f32 to vector<16xf32>
      %dma_wait3A_204 = arith.constant 0 : i32
      %dma_wait3A_205 = arith.constant 0 : i32
      %dma_wait3A_206 = tpu.memref_slice %arg2[%dma_wait3A_204, %dma_wait3A_205] : memref<10000x64xf32, #tpu.memory_space<hbm>> -> memref<80x64xf32, #tpu.memory_space<hbm>>
      %dma_wait3A_207 = arith.constant 0 : i32
      %dma_wait3A_208 = arith.constant 0 : i32
      %dma_wait3A_209 = tpu.memref_slice %arg2[%dma_wait3A_207, %dma_wait3A_208] : memref<10000x64xf32, #tpu.memory_space<hbm>> -> memref<80x64xf32, #tpu.memory_space<hbm>>
      tpu.wait_dma2 semaphore(%arg22 : memref<!tpu.dma_semaphore, #tpu.memory_space<semaphore_mem>>) src(%dma_wait3A_209 : memref<80x64xf32, #tpu.memory_space<hbm>>) dst(%arg11 : memref<80x64xf32, #tpu.memory_space<vmem>>)
      %dma_wait3A_210 = arith.constant 0 : i32
      %dma_wait3A_211 = tpu.memref_slice %arg3[%dma_wait3A_210] : memref<640000xi32, #tpu.memory_space<hbm>> -> memref<80xi32, #tpu.memory_space<hbm>>
      %dma_wait3A_212 = arith.constant 0 : i32
      %dma_wait3A_213 = tpu.memref_slice %arg3[%dma_wait3A_212] : memref<640000xi32, #tpu.memory_space<hbm>> -> memref<80xi32, #tpu.memory_space<hbm>>
      tpu.wait_dma2 semaphore(%arg32 : memref<!tpu.dma_semaphore, #tpu.memory_space<semaphore_mem>>) src(%dma_wait3A_213 : memref<80xi32, #tpu.memory_space<hbm>>) dst(%arg6 : memref<80xi32, #tpu.memory_space<vmem>>)
      %dma_start3A_214 = arith.constant 0 : i32
      %dma_start3A_215 = arith.constant 0 : i32
      %dma_start3A_216 = tpu.memref_slice %arg20[%dma_start3A_214, %dma_start3A_215] : memref<10240x64xf32, #tpu.memory_space<vmem_shared>> -> memref<10240x64xf32, #tpu.memory_space<vmem_shared>>
      tpu.enqueue_indirect_dma source(%arg11 : memref<80x64xf32, #tpu.memory_space<vmem>>) target(%dma_start3A_216 : memref<10240x64xf32, #tpu.memory_space<vmem_shared>>) offsets(%arg6 : memref<80xi32, #tpu.memory_space<vmem>>) semaphore(%arg27 : memref<!tpu.dma_semaphore, #tpu.memory_space<semaphore_mem>>) {add = true}
      %get3A = arith.constant 0 : index
      %get3A_217 = tpu.vector_load %arg6[%get3A] {strides = array<i32>} : memref<80xi32, #tpu.memory_space<vmem>>, vector<16xi32>,
      tpu.vector_store_idx %arg17[%get3A_217], %broadcast_in_dim3A_203 {add = true} : memref<10240xf32, #tpu.memory_space<vmem>>[vector<16xi32>], vector<16xf32>,
      %get3A_218 = arith.constant 16 : index
      %get3A_219 = tpu.vector_load %arg6[%get3A_218] {strides = array<i32>} : memref<80xi32, #tpu.memory_space<vmem>>, vector<16xi32>,
      tpu.vector_store_idx %arg17[%get3A_219], %broadcast_in_dim3A_203 {add = true} : memref<10240xf32, #tpu.memory_space<vmem>>[vector<16xi32>], vector<16xf32>,
      %get3A_220 = arith.constant 32 : index
      %get3A_221 = tpu.vector_load %arg6[%get3A_220] {strides = array<i32>} : memref<80xi32, #tpu.memory_space<vmem>>, vector<16xi32>,
      tpu.vector_store_idx %arg17[%get3A_221], %broadcast_in_dim3A_203 {add = true} : memref<10240xf32, #tpu.memory_space<vmem>>[vector<16xi32>], vector<16xf32>,
      %get3A_222 = arith.constant 48 : index
      %get3A_223 = tpu.vector_load %arg6[%get3A_222] {strides = array<i32>} : memref<80xi32, #tpu.memory_space<vmem>>, vector<16xi32>,
      tpu.vector_store_idx %arg17[%get3A_223], %broadcast_in_dim3A_203 {add = true} : memref<10240xf32, #tpu.memory_space<vmem>>[vector<16xi32>], vector<16xf32>,
      %get3A_224 = arith.constant 64 : index
      %get3A_225 = tpu.vector_load %arg6[%get3A_224] {strides = array<i32>} : memref<80xi32, #tpu.memory_space<vmem>>, vector<16xi32>,
      tpu.vector_store_idx %arg17[%get3A_225], %broadcast_in_dim3A_203 {add = true} : memref<10240xf32, #tpu.memory_space<vmem>>[vector<16xi32>], vector<16xf32>,
      %dma_wait3A_226 = arith.constant 0 : i32
      %dma_wait3A_227 = arith.constant 0 : i32
      %dma_wait3A_228 = tpu.memref_slice %arg2[%dma_wait3A_226, %dma_wait3A_227] : memref<10000x64xf32, #tpu.memory_space<hbm>> -> memref<80x64xf32, #tpu.memory_space<hbm>>
      %dma_wait3A_229 = arith.constant 0 : i32
      %dma_wait3A_230 = arith.constant 0 : i32
      %dma_wait3A_231 = tpu.memref_slice %arg2[%dma_wait3A_229, %dma_wait3A_230] : memref<10000x64xf32, #tpu.memory_space<hbm>> -> memref<80x64xf32, #tpu.memory_space<hbm>>
      tpu.wait_dma2 semaphore(%arg23 : memref<!tpu.dma_semaphore, #tpu.memory_space<semaphore_mem>>) src(%dma_wait3A_231 : memref<80x64xf32, #tpu.memory_space<hbm>>) dst(%arg12 : memref<80x64xf32, #tpu.memory_space<vmem>>)
      %dma_wait3A_232 = arith.constant 0 : i32
      %dma_wait3A_233 = tpu.memref_slice %arg3[%dma_wait3A_232] : memref<640000xi32, #tpu.memory_space<hbm>> -> memref<80xi32, #tpu.memory_space<hbm>>
      %dma_wait3A_234 = arith.constant 0 : i32
      %dma_wait3A_235 = tpu.memref_slice %arg3[%dma_wait3A_234] : memref<640000xi32, #tpu.memory_space<hbm>> -> memref<80xi32, #tpu.memory_space<hbm>>
      tpu.wait_dma2 semaphore(%arg33 : memref<!tpu.dma_semaphore, #tpu.memory_space<semaphore_mem>>) src(%dma_wait3A_235 : memref<80xi32, #tpu.memory_space<hbm>>) dst(%arg7 : memref<80xi32, #tpu.memory_space<vmem>>)
      %dma_start3A_236 = arith.constant 0 : i32
      %dma_start3A_237 = arith.constant 0 : i32
      %dma_start3A_238 = tpu.memref_slice %arg20[%dma_start3A_236, %dma_start3A_237] : memref<10240x64xf32, #tpu.memory_space<vmem_shared>> -> memref<10240x64xf32, #tpu.memory_space<vmem_shared>>
      tpu.enqueue_indirect_dma source(%arg12 : memref<80x64xf32, #tpu.memory_space<vmem>>) target(%dma_start3A_238 : memref<10240x64xf32, #tpu.memory_space<vmem_shared>>) offsets(%arg7 : memref<80xi32, #tpu.memory_space<vmem>>) semaphore(%arg28 : memref<!tpu.dma_semaphore, #tpu.memory_space<semaphore_mem>>) {add = true}
      %get3A_239 = arith.constant 0 : index
      %get3A_240 = tpu.vector_load %arg7[%get3A_239] {strides = array<i32>} : memref<80xi32, #tpu.memory_space<vmem>>, vector<16xi32>,
      tpu.vector_store_idx %arg17[%get3A_240], %broadcast_in_dim3A_203 {add = true} : memref<10240xf32, #tpu.memory_space<vmem>>[vector<16xi32>], vector<16xf32>,
      %get3A_241 = arith.constant 16 : index
      %get3A_242 = tpu.vector_load %arg7[%get3A_241] {strides = array<i32>} : memref<80xi32, #tpu.memory_space<vmem>>, vector<16xi32>,
      tpu.vector_store_idx %arg17[%get3A_242], %broadcast_in_dim3A_203 {add = true} : memref<10240xf32, #tpu.memory_space<vmem>>[vector<16xi32>], vector<16xf32>,
      %get3A_243 = arith.constant 32 : index
      %get3A_244 = tpu.vector_load %arg7[%get3A_243] {strides = array<i32>} : memref<80xi32, #tpu.memory_space<vmem>>, vector<16xi32>,
      tpu.vector_store_idx %arg17[%get3A_244], %broadcast_in_dim3A_203 {add = true} : memref<10240xf32, #tpu.memory_space<vmem>>[vector<16xi32>], vector<16xf32>,
      %get3A_245 = arith.constant 48 : index
      %get3A_246 = tpu.vector_load %arg7[%get3A_245] {strides = array<i32>} : memref<80xi32, #tpu.memory_space<vmem>>, vector<16xi32>,
      tpu.vector_store_idx %arg17[%get3A_246], %broadcast_in_dim3A_203 {add = true} : memref<10240xf32, #tpu.memory_space<vmem>>[vector<16xi32>], vector<16xf32>,
      %get3A_247 = arith.constant 64 : index
      %get3A_248 = tpu.vector_load %arg7[%get3A_247] {strides = array<i32>} : memref<80xi32, #tpu.memory_space<vmem>>, vector<16xi32>,
      tpu.vector_store_idx %arg17[%get3A_248], %broadcast_in_dim3A_203 {add = true} : memref<10240xf32, #tpu.memory_space<vmem>>[vector<16xi32>], vector<16xf32>,
      %dma_wait3A_249 = arith.constant 0 : i32
      %dma_wait3A_250 = arith.constant 0 : i32
      %dma_wait3A_251 = tpu.memref_slice %arg2[%dma_wait3A_249, %dma_wait3A_250] : memref<10000x64xf32, #tpu.memory_space<hbm>> -> memref<80x64xf32, #tpu.memory_space<hbm>>
      %dma_wait3A_252 = arith.constant 0 : i32
      %dma_wait3A_253 = arith.constant 0 : i32
      %dma_wait3A_254 = tpu.memref_slice %arg2[%dma_wait3A_252, %dma_wait3A_253] : memref<10000x64xf32, #tpu.memory_space<hbm>> -> memref<80x64xf32, #tpu.memory_space<hbm>>
      tpu.wait_dma2 semaphore(%arg24 : memref<!tpu.dma_semaphore, #tpu.memory_space<semaphore_mem>>) src(%dma_wait3A_254 : memref<80x64xf32, #tpu.memory_space<hbm>>) dst(%arg13 : memref<80x64xf32, #tpu.memory_space<vmem>>)
      %dma_wait3A_255 = arith.constant 0 : i32
      %dma_wait3A_256 = tpu.memref_slice %arg3[%dma_wait3A_255] : memref<640000xi32, #tpu.memory_space<hbm>> -> memref<80xi32, #tpu.memory_space<hbm>>
      %dma_wait3A_257 = arith.constant 0 : i32
      %dma_wait3A_258 = tpu.memref_slice %arg3[%dma_wait3A_257] : memref<640000xi32, #tpu.memory_space<hbm>> -> memref<80xi32, #tpu.memory_space<hbm>>
      tpu.wait_dma2 semaphore(%arg34 : memref<!tpu.dma_semaphore, #tpu.memory_space<semaphore_mem>>) src(%dma_wait3A_258 : memref<80xi32, #tpu.memory_space<hbm>>) dst(%arg8 : memref<80xi32, #tpu.memory_space<vmem>>)
      %dma_start3A_259 = arith.constant 0 : i32
      %dma_start3A_260 = arith.constant 0 : i32
      %dma_start3A_261 = tpu.memref_slice %arg20[%dma_start3A_259, %dma_start3A_260] : memref<10240x64xf32, #tpu.memory_space<vmem_shared>> -> memref<10240x64xf32, #tpu.memory_space<vmem_shared>>
      tpu.enqueue_indirect_dma source(%arg13 : memref<80x64xf32, #tpu.memory_space<vmem>>) target(%dma_start3A_261 : memref<10240x64xf32, #tpu.memory_space<vmem_shared>>) offsets(%arg8 : memref<80xi32, #tpu.memory_space<vmem>>) semaphore(%arg29 : memref<!tpu.dma_semaphore, #tpu.memory_space<semaphore_mem>>) {add = true}
      %get3A_262 = arith.constant 0 : index
      %get3A_263 = tpu.vector_load %arg8[%get3A_262] {strides = array<i32>} : memref<80xi32, #tpu.memory_space<vmem>>, vector<16xi32>,
      tpu.vector_store_idx %arg17[%get3A_263], %broadcast_in_dim3A_203 {add = true} : memref<10240xf32, #tpu.memory_space<vmem>>[vector<16xi32>], vector<16xf32>,
      %get3A_264 = arith.constant 16 : index
      %get3A_265 = tpu.vector_load %arg8[%get3A_264] {strides = array<i32>} : memref<80xi32, #tpu.memory_space<vmem>>, vector<16xi32>,
      tpu.vector_store_idx %arg17[%get3A_265], %broadcast_in_dim3A_203 {add = true} : memref<10240xf32, #tpu.memory_space<vmem>>[vector<16xi32>], vector<16xf32>,
      %get3A_266 = arith.constant 32 : index
      %get3A_267 = tpu.vector_load %arg8[%get3A_266] {strides = array<i32>} : memref<80xi32, #tpu.memory_space<vmem>>, vector<16xi32>,
      tpu.vector_store_idx %arg17[%get3A_267], %broadcast_in_dim3A_203 {add = true} : memref<10240xf32, #tpu.memory_space<vmem>>[vector<16xi32>], vector<16xf32>,
      %get3A_268 = arith.constant 48 : index
      %get3A_269 = tpu.vector_load %arg8[%get3A_268] {strides = array<i32>} : memref<80xi32, #tpu.memory_space<vmem>>, vector<16xi32>,
      tpu.vector_store_idx %arg17[%get3A_269], %broadcast_in_dim3A_203 {add = true} : memref<10240xf32, #tpu.memory_space<vmem>>[vector<16xi32>], vector<16xf32>,
      %get3A_270 = arith.constant 64 : index
      %get3A_271 = tpu.vector_load %arg8[%get3A_270] {strides = array<i32>} : memref<80xi32, #tpu.memory_space<vmem>>, vector<16xi32>,
      tpu.vector_store_idx %arg17[%get3A_271], %broadcast_in_dim3A_203 {add = true} : memref<10240xf32, #tpu.memory_space<vmem>>[vector<16xi32>], vector<16xf32>,
      %dma_wait3A_272 = arith.constant 0 : i32
      %dma_wait3A_273 = arith.constant 0 : i32
      %dma_wait3A_274 = tpu.memref_slice %arg2[%dma_wait3A_272, %dma_wait3A_273] : memref<10000x64xf32, #tpu.memory_space<hbm>> -> memref<80x64xf32, #tpu.memory_space<hbm>>
      %dma_wait3A_275 = arith.constant 0 : i32
      %dma_wait3A_276 = arith.constant 0 : i32
      %dma_wait3A_277 = tpu.memref_slice %arg2[%dma_wait3A_275, %dma_wait3A_276] : memref<10000x64xf32, #tpu.memory_space<hbm>> -> memref<80x64xf32, #tpu.memory_space<hbm>>
      tpu.wait_dma2 semaphore(%arg25 : memref<!tpu.dma_semaphore, #tpu.memory_space<semaphore_mem>>) src(%dma_wait3A_277 : memref<80x64xf32, #tpu.memory_space<hbm>>) dst(%arg14 : memref<80x64xf32, #tpu.memory_space<vmem>>)
      %dma_wait3A_278 = arith.constant 0 : i32
      %dma_wait3A_279 = tpu.memref_slice %arg3[%dma_wait3A_278] : memref<640000xi32, #tpu.memory_space<hbm>> -> memref<80xi32, #tpu.memory_space<hbm>>
      %dma_wait3A_280 = arith.constant 0 : i32
      %dma_wait3A_281 = tpu.memref_slice %arg3[%dma_wait3A_280] : memref<640000xi32, #tpu.memory_space<hbm>> -> memref<80xi32, #tpu.memory_space<hbm>>
      tpu.wait_dma2 semaphore(%arg35 : memref<!tpu.dma_semaphore, #tpu.memory_space<semaphore_mem>>) src(%dma_wait3A_281 : memref<80xi32, #tpu.memory_space<hbm>>) dst(%arg9 : memref<80xi32, #tpu.memory_space<vmem>>)
      %dma_start3A_282 = arith.constant 0 : i32
      %dma_start3A_283 = arith.constant 0 : i32
      %dma_start3A_284 = tpu.memref_slice %arg20[%dma_start3A_282, %dma_start3A_283] : memref<10240x64xf32, #tpu.memory_space<vmem_shared>> -> memref<10240x64xf32, #tpu.memory_space<vmem_shared>>
      tpu.enqueue_indirect_dma source(%arg14 : memref<80x64xf32, #tpu.memory_space<vmem>>) target(%dma_start3A_284 : memref<10240x64xf32, #tpu.memory_space<vmem_shared>>) offsets(%arg9 : memref<80xi32, #tpu.memory_space<vmem>>) semaphore(%arg30 : memref<!tpu.dma_semaphore, #tpu.memory_space<semaphore_mem>>) {add = true}
      %get3A_285 = arith.constant 0 : index
      %get3A_286 = tpu.vector_load %arg9[%get3A_285] {strides = array<i32>} : memref<80xi32, #tpu.memory_space<vmem>>, vector<16xi32>,
      tpu.vector_store_idx %arg17[%get3A_286], %broadcast_in_dim3A_203 {add = true} : memref<10240xf32, #tpu.memory_space<vmem>>[vector<16xi32>], vector<16xf32>,
      %get3A_287 = arith.constant 16 : index
      %get3A_288 = tpu.vector_load %arg9[%get3A_287] {strides = array<i32>} : memref<80xi32, #tpu.memory_space<vmem>>, vector<16xi32>,
      tpu.vector_store_idx %arg17[%get3A_288], %broadcast_in_dim3A_203 {add = true} : memref<10240xf32, #tpu.memory_space<vmem>>[vector<16xi32>], vector<16xf32>,
      %get3A_289 = arith.constant 32 : index
      %get3A_290 = tpu.vector_load %arg9[%get3A_289] {strides = array<i32>} : memref<80xi32, #tpu.memory_space<vmem>>, vector<16xi32>,
      tpu.vector_store_idx %arg17[%get3A_290], %broadcast_in_dim3A_203 {add = true} : memref<10240xf32, #tpu.memory_space<vmem>>[vector<16xi32>], vector<16xf32>,
      %get3A_291 = arith.constant 48 : index
      %get3A_292 = tpu.vector_load %arg9[%get3A_291] {strides = array<i32>} : memref<80xi32, #tpu.memory_space<vmem>>, vector<16xi32>,
      tpu.vector_store_idx %arg17[%get3A_292], %broadcast_in_dim3A_203 {add = true} : memref<10240xf32, #tpu.memory_space<vmem>>[vector<16xi32>], vector<16xf32>,
      %get3A_293 = arith.constant 64 : index
      %get3A_294 = tpu.vector_load %arg9[%get3A_293] {strides = array<i32>} : memref<80xi32, #tpu.memory_space<vmem>>, vector<16xi32>,
      tpu.vector_store_idx %arg17[%get3A_294], %broadcast_in_dim3A_203 {add = true} : memref<10240xf32, #tpu.memory_space<vmem>>[vector<16xi32>], vector<16xf32>,
      %dma_wait3A_295 = arith.constant 0 : i32
      %dma_wait3A_296 = arith.constant 0 : i32
      %dma_wait3A_297 = tpu.memref_slice %arg2[%dma_wait3A_295, %dma_wait3A_296] : memref<10000x64xf32, #tpu.memory_space<hbm>> -> memref<80x64xf32, #tpu.memory_space<hbm>>
      %dma_wait3A_298 = arith.constant 0 : i32
      %dma_wait3A_299 = arith.constant 0 : i32
      %dma_wait3A_300 = tpu.memref_slice %arg2[%dma_wait3A_298, %dma_wait3A_299] : memref<10000x64xf32, #tpu.memory_space<hbm>> -> memref<80x64xf32, #tpu.memory_space<hbm>>
      tpu.wait_dma2 semaphore(%arg26 : memref<!tpu.dma_semaphore, #tpu.memory_space<semaphore_mem>>) src(%dma_wait3A_300 : memref<80x64xf32, #tpu.memory_space<hbm>>) dst(%arg15 : memref<80x64xf32, #tpu.memory_space<vmem>>)
      %dma_wait3A_301 = arith.constant 0 : i32
      %dma_wait3A_302 = tpu.memref_slice %arg3[%dma_wait3A_301] : memref<640000xi32, #tpu.memory_space<hbm>> -> memref<80xi32, #tpu.memory_space<hbm>>
      %dma_wait3A_303 = arith.constant 0 : i32
      %dma_wait3A_304 = tpu.memref_slice %arg3[%dma_wait3A_303] : memref<640000xi32, #tpu.memory_space<hbm>> -> memref<80xi32, #tpu.memory_space<hbm>>
      tpu.wait_dma2 semaphore(%arg36 : memref<!tpu.dma_semaphore, #tpu.memory_space<semaphore_mem>>) src(%dma_wait3A_304 : memref<80xi32, #tpu.memory_space<hbm>>) dst(%arg10 : memref<80xi32, #tpu.memory_space<vmem>>)
      %dma_start3A_305 = arith.constant 0 : i32
      %dma_start3A_306 = arith.constant 0 : i32
      %dma_start3A_307 = tpu.memref_slice %arg20[%dma_start3A_305, %dma_start3A_306] : memref<10240x64xf32, #tpu.memory_space<vmem_shared>> -> memref<10240x64xf32, #tpu.memory_space<vmem_shared>>
      tpu.enqueue_indirect_dma source(%arg15 : memref<80x64xf32, #tpu.memory_space<vmem>>) target(%dma_start3A_307 : memref<10240x64xf32, #tpu.memory_space<vmem_shared>>) offsets(%arg10 : memref<80xi32, #tpu.memory_space<vmem>>) semaphore(%arg31 : memref<!tpu.dma_semaphore, #tpu.memory_space<semaphore_mem>>) {add = true}
      %get3A_308 = arith.constant 0 : index
      %get3A_309 = tpu.vector_load %arg10[%get3A_308] {strides = array<i32>} : memref<80xi32, #tpu.memory_space<vmem>>, vector<16xi32>,
      tpu.vector_store_idx %arg17[%get3A_309], %broadcast_in_dim3A_203 {add = true} : memref<10240xf32, #tpu.memory_space<vmem>>[vector<16xi32>], vector<16xf32>,
      %get3A_310 = arith.constant 16 : index
      %get3A_311 = tpu.vector_load %arg10[%get3A_310] {strides = array<i32>} : memref<80xi32, #tpu.memory_space<vmem>>, vector<16xi32>,
      tpu.vector_store_idx %arg17[%get3A_311], %broadcast_in_dim3A_203 {add = true} : memref<10240xf32, #tpu.memory_space<vmem>>[vector<16xi32>], vector<16xf32>,
      %get3A_312 = arith.constant 32 : index
      %get3A_313 = tpu.vector_load %arg10[%get3A_312] {strides = array<i32>} : memref<80xi32, #tpu.memory_space<vmem>>, vector<16xi32>,
      tpu.vector_store_idx %arg17[%get3A_313], %broadcast_in_dim3A_203 {add = true} : memref<10240xf32, #tpu.memory_space<vmem>>[vector<16xi32>], vector<16xf32>,
      %get3A_314 = arith.constant 48 : index
      %get3A_315 = tpu.vector_load %arg10[%get3A_314] {strides = array<i32>} : memref<80xi32, #tpu.memory_space<vmem>>, vector<16xi32>,
      tpu.vector_store_idx %arg17[%get3A_315], %broadcast_in_dim3A_203 {add = true} : memref<10240xf32, #tpu.memory_space<vmem>>[vector<16xi32>], vector<16xf32>,
      %get3A_316 = arith.constant 64 : index
      %get3A_317 = tpu.vector_load %arg10[%get3A_316] {strides = array<i32>} : memref<80xi32, #tpu.memory_space<vmem>>, vector<16xi32>,
      tpu.vector_store_idx %arg17[%get3A_317], %broadcast_in_dim3A_203 {add = true} : memref<10240xf32, #tpu.memory_space<vmem>>[vector<16xi32>], vector<16xf32>,
      %lt3A = arith.constant 24 : i32
      %lt3A_318 = arith.cmpi slt, %add3A_199, %lt3A : i32
      %convert_element_type3A = arith.extui %lt3A_318 : i1 to i32
      %cond3A = arith.constant 0 : i32
      %cond3A_319 = arith.cmpi ne, %convert_element_type3A, %cond3A : i32
      scf.if %cond3A_319 {
        %dma_wait3A_320 = arith.constant 0 : i32
        %dma_wait3A_321 = arith.constant 0 : i32
        %dma_wait3A_322 = tpu.memref_slice %arg2[%dma_wait3A_320, %dma_wait3A_321] : memref<10000x64xf32, #tpu.memory_space<hbm>> -> memref<80x64xf32, #tpu.memory_space<hbm>>
        %dma_wait3A_323 = arith.constant 0 : i32
        %dma_wait3A_324 = arith.constant 0 : i32
        %dma_wait3A_325 = tpu.memref_slice %arg2[%dma_wait3A_323, %dma_wait3A_324] : memref<10000x64xf32, #tpu.memory_space<hbm>> -> memref<80x64xf32, #tpu.memory_space<hbm>>
        tpu.wait_dma2 semaphore(%arg27 : memref<!tpu.dma_semaphore, #tpu.memory_space<semaphore_mem>>) src(%dma_wait3A_325 : memref<80x64xf32, #tpu.memory_space<hbm>>) dst(%arg11 : memref<80x64xf32, #tpu.memory_space<vmem>>)
        %add3A_326 = arith.constant 5 : i32
        %add3A_327 = arith.addi %mul3A_201, %add3A_326 : i32
        %add3A_328 = arith.constant 0 : i32
        %add3A_329 = arith.addi %add3A_327, %add3A_328 : i32
        %mul3A_330 = arith.constant 80 : i32
        %mul3A_331 = arith.muli %add3A_329, %mul3A_330 : i32
        %dma_start3A_332 = tpu.memref_slice %arg5[%mul3A_331] : memref<10000xi32, #tpu.memory_space<vmem>> -> memref<80xi32, #tpu.memory_space<vmem>>
        %dma_start3A_333 = arith.constant 0 : i32
        %dma_start3A_334 = arith.constant 0 : i32
        %dma_start3A_335 = tpu.memref_slice %arg2[%dma_start3A_333, %dma_start3A_334] : memref<10000x64xf32, #tpu.memory_space<hbm>> -> memref<10000x64xf32, #tpu.memory_space<hbm>>
        tpu.enqueue_indirect_dma source(%dma_start3A_335 : memref<10000x64xf32, #tpu.memory_space<hbm>>) target(%arg11 : memref<80x64xf32, #tpu.memory_space<vmem>>) offsets(%dma_start3A_332 : memref<80xi32, #tpu.memory_space<vmem>>) semaphore(%arg22 : memref<!tpu.dma_semaphore, #tpu.memory_space<semaphore_mem>>)
        %add3A_336 = arith.addi %add3A_10, %mul3A_331 : i32
        %dma_start3A_337 = tpu.memref_slice %arg3[%add3A_336] : memref<640000xi32, #tpu.memory_space<hbm>> -> memref<80xi32, #tpu.memory_space<hbm>>
        %dma_start3A_338 = tpu.memref_slice %arg3[%add3A_336] : memref<640000xi32, #tpu.memory_space<hbm>> -> memref<80xi32, #tpu.memory_space<hbm>>
        tpu.enqueue_dma source(%dma_start3A_338 : memref<80xi32, #tpu.memory_space<hbm>>) target(%arg6 : memref<80xi32, #tpu.memory_space<vmem>>) target_semaphore(%arg32 : memref<!tpu.dma_semaphore, #tpu.memory_space<semaphore_mem>>)
        %dma_wait3A_339 = arith.constant 0 : i32
        %dma_wait3A_340 = arith.constant 0 : i32
        %dma_wait3A_341 = tpu.memref_slice %arg2[%dma_wait3A_339, %dma_wait3A_340] : memref<10000x64xf32, #tpu.memory_space<hbm>> -> memref<80x64xf32, #tpu.memory_space<hbm>>
        %dma_wait3A_342 = arith.constant 0 : i32
        %dma_wait3A_343 = arith.constant 0 : i32
        %dma_wait3A_344 = tpu.memref_slice %arg2[%dma_wait3A_342, %dma_wait3A_343] : memref<10000x64xf32, #tpu.memory_space<hbm>> -> memref<80x64xf32, #tpu.memory_space<hbm>>
        tpu.wait_dma2 semaphore(%arg28 : memref<!tpu.dma_semaphore, #tpu.memory_space<semaphore_mem>>) src(%dma_wait3A_344 : memref<80x64xf32, #tpu.memory_space<hbm>>) dst(%arg12 : memref<80x64xf32, #tpu.memory_space<vmem>>)
        %add3A_345 = arith.constant 5 : i32
        %add3A_346 = arith.addi %mul3A_201, %add3A_345 : i32
        %add3A_347 = arith.constant 1 : i32
        %add3A_348 = arith.addi %add3A_346, %add3A_347 : i32
        %mul3A_349 = arith.constant 80 : i32
        %mul3A_350 = arith.muli %add3A_348, %mul3A_349 : i32
        %dma_start3A_351 = tpu.memref_slice %arg5[%mul3A_350] : memref<10000xi32, #tpu.memory_space<vmem>> -> memref<80xi32, #tpu.memory_space<vmem>>
        %dma_start3A_352 = arith.constant 0 : i32
        %dma_start3A_353 = arith.constant 0 : i32
        %dma_start3A_354 = tpu.memref_slice %arg2[%dma_start3A_352, %dma_start3A_353] : memref<10000x64xf32, #tpu.memory_space<hbm>> -> memref<10000x64xf32, #tpu.memory_space<hbm>>
        tpu.enqueue_indirect_dma source(%dma_start3A_354 : memref<10000x64xf32, #tpu.memory_space<hbm>>) target(%arg12 : memref<80x64xf32, #tpu.memory_space<vmem>>) offsets(%dma_start3A_351 : memref<80xi32, #tpu.memory_space<vmem>>) semaphore(%arg23 : memref<!tpu.dma_semaphore, #tpu.memory_space<semaphore_mem>>)
        %add3A_355 = arith.addi %add3A_10, %mul3A_350 : i32
        %dma_start3A_356 = tpu.memref_slice %arg3[%add3A_355] : memref<640000xi32, #tpu.memory_space<hbm>> -> memref<80xi32, #tpu.memory_space<hbm>>
        %dma_start3A_357 = tpu.memref_slice %arg3[%add3A_355] : memref<640000xi32, #tpu.memory_space<hbm>> -> memref<80xi32, #tpu.memory_space<hbm>>
        tpu.enqueue_dma source(%dma_start3A_357 : memref<80xi32, #tpu.memory_space<hbm>>) target(%arg7 : memref<80xi32, #tpu.memory_space<vmem>>) target_semaphore(%arg33 : memref<!tpu.dma_semaphore, #tpu.memory_space<semaphore_mem>>)
        %dma_wait3A_358 = arith.constant 0 : i32
        %dma_wait3A_359 = arith.constant 0 : i32
        %dma_wait3A_360 = tpu.memref_slice %arg2[%dma_wait3A_358, %dma_wait3A_359] : memref<10000x64xf32, #tpu.memory_space<hbm>> -> memref<80x64xf32, #tpu.memory_space<hbm>>
        %dma_wait3A_361 = arith.constant 0 : i32
        %dma_wait3A_362 = arith.constant 0 : i32
        %dma_wait3A_363 = tpu.memref_slice %arg2[%dma_wait3A_361, %dma_wait3A_362] : memref<10000x64xf32, #tpu.memory_space<hbm>> -> memref<80x64xf32, #tpu.memory_space<hbm>>
        tpu.wait_dma2 semaphore(%arg29 : memref<!tpu.dma_semaphore, #tpu.memory_space<semaphore_mem>>) src(%dma_wait3A_363 : memref<80x64xf32, #tpu.memory_space<hbm>>) dst(%arg13 : memref<80x64xf32, #tpu.memory_space<vmem>>)
        %add3A_364 = arith.constant 5 : i32
        %add3A_365 = arith.addi %mul3A_201, %add3A_364 : i32
        %add3A_366 = arith.constant 2 : i32
        %add3A_367 = arith.addi %add3A_365, %add3A_366 : i32
        %mul3A_368 = arith.constant 80 : i32
        %mul3A_369 = arith.muli %add3A_367, %mul3A_368 : i32
        %dma_start3A_370 = tpu.memref_slice %arg5[%mul3A_369] : memref<10000xi32, #tpu.memory_space<vmem>> -> memref<80xi32, #tpu.memory_space<vmem>>
        %dma_start3A_371 = arith.constant 0 : i32
        %dma_start3A_372 = arith.constant 0 : i32
        %dma_start3A_373 = tpu.memref_slice %arg2[%dma_start3A_371, %dma_start3A_372] : memref<10000x64xf32, #tpu.memory_space<hbm>> -> memref<10000x64xf32, #tpu.memory_space<hbm>>
        tpu.enqueue_indirect_dma source(%dma_start3A_373 : memref<10000x64xf32, #tpu.memory_space<hbm>>) target(%arg13 : memref<80x64xf32, #tpu.memory_space<vmem>>) offsets(%dma_start3A_370 : memref<80xi32, #tpu.memory_space<vmem>>) semaphore(%arg24 : memref<!tpu.dma_semaphore, #tpu.memory_space<semaphore_mem>>)
        %add3A_374 = arith.addi %add3A_10, %mul3A_369 : i32
        %dma_start3A_375 = tpu.memref_slice %arg3[%add3A_374] : memref<640000xi32, #tpu.memory_space<hbm>> -> memref<80xi32, #tpu.memory_space<hbm>>
        %dma_start3A_376 = tpu.memref_slice %arg3[%add3A_374] : memref<640000xi32, #tpu.memory_space<hbm>> -> memref<80xi32, #tpu.memory_space<hbm>>
        tpu.enqueue_dma source(%dma_start3A_376 : memref<80xi32, #tpu.memory_space<hbm>>) target(%arg8 : memref<80xi32, #tpu.memory_space<vmem>>) target_semaphore(%arg34 : memref<!tpu.dma_semaphore, #tpu.memory_space<semaphore_mem>>)
        %dma_wait3A_377 = arith.constant 0 : i32
        %dma_wait3A_378 = arith.constant 0 : i32
        %dma_wait3A_379 = tpu.memref_slice %arg2[%dma_wait3A_377, %dma_wait3A_378] : memref<10000x64xf32, #tpu.memory_space<hbm>> -> memref<80x64xf32, #tpu.memory_space<hbm>>
        %dma_wait3A_380 = arith.constant 0 : i32
        %dma_wait3A_381 = arith.constant 0 : i32
        %dma_wait3A_382 = tpu.memref_slice %arg2[%dma_wait3A_380, %dma_wait3A_381] : memref<10000x64xf32, #tpu.memory_space<hbm>> -> memref<80x64xf32, #tpu.memory_space<hbm>>
        tpu.wait_dma2 semaphore(%arg30 : memref<!tpu.dma_semaphore, #tpu.memory_space<semaphore_mem>>) src(%dma_wait3A_382 : memref<80x64xf32, #tpu.memory_space<hbm>>) dst(%arg14 : memref<80x64xf32, #tpu.memory_space<vmem>>)
        %add3A_383 = arith.constant 5 : i32
        %add3A_384 = arith.addi %mul3A_201, %add3A_383 : i32
        %add3A_385 = arith.constant 3 : i32
        %add3A_386 = arith.addi %add3A_384, %add3A_385 : i32
        %mul3A_387 = arith.constant 80 : i32
        %mul3A_388 = arith.muli %add3A_386, %mul3A_387 : i32
        %dma_start3A_389 = tpu.memref_slice %arg5[%mul3A_388] : memref<10000xi32, #tpu.memory_space<vmem>> -> memref<80xi32, #tpu.memory_space<vmem>>
        %dma_start3A_390 = arith.constant 0 : i32
        %dma_start3A_391 = arith.constant 0 : i32
        %dma_start3A_392 = tpu.memref_slice %arg2[%dma_start3A_390, %dma_start3A_391] : memref<10000x64xf32, #tpu.memory_space<hbm>> -> memref<10000x64xf32, #tpu.memory_space<hbm>>
        tpu.enqueue_indirect_dma source(%dma_start3A_392 : memref<10000x64xf32, #tpu.memory_space<hbm>>) target(%arg14 : memref<80x64xf32, #tpu.memory_space<vmem>>) offsets(%dma_start3A_389 : memref<80xi32, #tpu.memory_space<vmem>>) semaphore(%arg25 : memref<!tpu.dma_semaphore, #tpu.memory_space<semaphore_mem>>)
        %add3A_393 = arith.addi %add3A_10, %mul3A_388 : i32
        %dma_start3A_394 = tpu.memref_slice %arg3[%add3A_393] : memref<640000xi32, #tpu.memory_space<hbm>> -> memref<80xi32, #tpu.memory_space<hbm>>
        %dma_start3A_395 = tpu.memref_slice %arg3[%add3A_393] : memref<640000xi32, #tpu.memory_space<hbm>> -> memref<80xi32, #tpu.memory_space<hbm>>
        tpu.enqueue_dma source(%dma_start3A_395 : memref<80xi32, #tpu.memory_space<hbm>>) target(%arg9 : memref<80xi32, #tpu.memory_space<vmem>>) target_semaphore(%arg35 : memref<!tpu.dma_semaphore, #tpu.memory_space<semaphore_mem>>)
        %dma_wait3A_396 = arith.constant 0 : i32
        %dma_wait3A_397 = arith.constant 0 : i32
        %dma_wait3A_398 = tpu.memref_slice %arg2[%dma_wait3A_396, %dma_wait3A_397] : memref<10000x64xf32, #tpu.memory_space<hbm>> -> memref<80x64xf32, #tpu.memory_space<hbm>>
        %dma_wait3A_399 = arith.constant 0 : i32
        %dma_wait3A_400 = arith.constant 0 : i32
        %dma_wait3A_401 = tpu.memref_slice %arg2[%dma_wait3A_399, %dma_wait3A_400] : memref<10000x64xf32, #tpu.memory_space<hbm>> -> memref<80x64xf32, #tpu.memory_space<hbm>>
        tpu.wait_dma2 semaphore(%arg31 : memref<!tpu.dma_semaphore, #tpu.memory_space<semaphore_mem>>) src(%dma_wait3A_401 : memref<80x64xf32, #tpu.memory_space<hbm>>) dst(%arg15 : memref<80x64xf32, #tpu.memory_space<vmem>>)
        %add3A_402 = arith.constant 5 : i32
        %add3A_403 = arith.addi %mul3A_201, %add3A_402 : i32
        %add3A_404 = arith.constant 4 : i32
        %add3A_405 = arith.addi %add3A_403, %add3A_404 : i32
        %mul3A_406 = arith.constant 80 : i32
        %mul3A_407 = arith.muli %add3A_405, %mul3A_406 : i32
        %dma_start3A_408 = tpu.memref_slice %arg5[%mul3A_407] : memref<10000xi32, #tpu.memory_space<vmem>> -> memref<80xi32, #tpu.memory_space<vmem>>
        %dma_start3A_409 = arith.constant 0 : i32
        %dma_start3A_410 = arith.constant 0 : i32
        %dma_start3A_411 = tpu.memref_slice %arg2[%dma_start3A_409, %dma_start3A_410] : memref<10000x64xf32, #tpu.memory_space<hbm>> -> memref<10000x64xf32, #tpu.memory_space<hbm>>
        tpu.enqueue_indirect_dma source(%dma_start3A_411 : memref<10000x64xf32, #tpu.memory_space<hbm>>) target(%arg15 : memref<80x64xf32, #tpu.memory_space<vmem>>) offsets(%dma_start3A_408 : memref<80xi32, #tpu.memory_space<vmem>>) semaphore(%arg26 : memref<!tpu.dma_semaphore, #tpu.memory_space<semaphore_mem>>)
        %add3A_412 = arith.addi %add3A_10, %mul3A_407 : i32
        %dma_start3A_413 = tpu.memref_slice %arg3[%add3A_412] : memref<640000xi32, #tpu.memory_space<hbm>> -> memref<80xi32, #tpu.memory_space<hbm>>
        %dma_start3A_414 = tpu.memref_slice %arg3[%add3A_412] : memref<640000xi32, #tpu.memory_space<hbm>> -> memref<80xi32, #tpu.memory_space<hbm>>
        tpu.enqueue_dma source(%dma_start3A_414 : memref<80xi32, #tpu.memory_space<hbm>>) target(%arg10 : memref<80xi32, #tpu.memory_space<vmem>>) target_semaphore(%arg36 : memref<!tpu.dma_semaphore, #tpu.memory_space<semaphore_mem>>)
      } else {
      }
    }
    %scan3A_139 = arith.constant 25 : i32
    %dma_wait3A_140 = arith.constant 0 : i32
    %dma_wait3A_141 = arith.constant 0 : i32
    %dma_wait3A_142 = tpu.memref_slice %arg2[%dma_wait3A_140, %dma_wait3A_141] : memref<10000x64xf32, #tpu.memory_space<hbm>> -> memref<80x64xf32, #tpu.memory_space<hbm>>
    %dma_wait3A_143 = arith.constant 0 : i32
    %dma_wait3A_144 = arith.constant 0 : i32
    %dma_wait3A_145 = tpu.memref_slice %arg2[%dma_wait3A_143, %dma_wait3A_144] : memref<10000x64xf32, #tpu.memory_space<hbm>> -> memref<80x64xf32, #tpu.memory_space<hbm>>
    tpu.wait_dma2 semaphore(%arg27 : memref<!tpu.dma_semaphore, #tpu.memory_space<semaphore_mem>>) src(%dma_wait3A_145 : memref<80x64xf32, #tpu.memory_space<hbm>>) dst(%arg11 : memref<80x64xf32, #tpu.memory_space<vmem>>)
    %dma_wait3A_146 = arith.constant 0 : i32
    %dma_wait3A_147 = arith.constant 0 : i32
    %dma_wait3A_148 = tpu.memref_slice %arg2[%dma_wait3A_146, %dma_wait3A_147] : memref<10000x64xf32, #tpu.memory_space<hbm>> -> memref<80x64xf32, #tpu.memory_space<hbm>>
    %dma_wait3A_149 = arith.constant 0 : i32
    %dma_wait3A_150 = arith.constant 0 : i32
    %dma_wait3A_151 = tpu.memref_slice %arg2[%dma_wait3A_149, %dma_wait3A_150] : memref<10000x64xf32, #tpu.memory_space<hbm>> -> memref<80x64xf32, #tpu.memory_space<hbm>>
    tpu.wait_dma2 semaphore(%arg28 : memref<!tpu.dma_semaphore, #tpu.memory_space<semaphore_mem>>) src(%dma_wait3A_151 : memref<80x64xf32, #tpu.memory_space<hbm>>) dst(%arg12 : memref<80x64xf32, #tpu.memory_space<vmem>>)
    %dma_wait3A_152 = arith.constant 0 : i32
    %dma_wait3A_153 = arith.constant 0 : i32
    %dma_wait3A_154 = tpu.memref_slice %arg2[%dma_wait3A_152, %dma_wait3A_153] : memref<10000x64xf32, #tpu.memory_space<hbm>> -> memref<80x64xf32, #tpu.memory_space<hbm>>
    %dma_wait3A_155 = arith.constant 0 : i32
    %dma_wait3A_156 = arith.constant 0 : i32
    %dma_wait3A_157 = tpu.memref_slice %arg2[%dma_wait3A_155, %dma_wait3A_156] : memref<10000x64xf32, #tpu.memory_space<hbm>> -> memref<80x64xf32, #tpu.memory_space<hbm>>
    tpu.wait_dma2 semaphore(%arg29 : memref<!tpu.dma_semaphore, #tpu.memory_space<semaphore_mem>>) src(%dma_wait3A_157 : memref<80x64xf32, #tpu.memory_space<hbm>>) dst(%arg13 : memref<80x64xf32, #tpu.memory_space<vmem>>)
    %dma_wait3A_158 = arith.constant 0 : i32
    %dma_wait3A_159 = arith.constant 0 : i32
    %dma_wait3A_160 = tpu.memref_slice %arg2[%dma_wait3A_158, %dma_wait3A_159] : memref<10000x64xf32, #tpu.memory_space<hbm>> -> memref<80x64xf32, #tpu.memory_space<hbm>>
    %dma_wait3A_161 = arith.constant 0 : i32
    %dma_wait3A_162 = arith.constant 0 : i32
    %dma_wait3A_163 = tpu.memref_slice %arg2[%dma_wait3A_161, %dma_wait3A_162] : memref<10000x64xf32, #tpu.memory_space<hbm>> -> memref<80x64xf32, #tpu.memory_space<hbm>>
    tpu.wait_dma2 semaphore(%arg30 : memref<!tpu.dma_semaphore, #tpu.memory_space<semaphore_mem>>) src(%dma_wait3A_163 : memref<80x64xf32, #tpu.memory_space<hbm>>) dst(%arg14 : memref<80x64xf32, #tpu.memory_space<vmem>>)
    %dma_wait3A_164 = arith.constant 0 : i32
    %dma_wait3A_165 = arith.constant 0 : i32
    %dma_wait3A_166 = tpu.memref_slice %arg2[%dma_wait3A_164, %dma_wait3A_165] : memref<10000x64xf32, #tpu.memory_space<hbm>> -> memref<80x64xf32, #tpu.memory_space<hbm>>
    %dma_wait3A_167 = arith.constant 0 : i32
    %dma_wait3A_168 = arith.constant 0 : i32
    %dma_wait3A_169 = tpu.memref_slice %arg2[%dma_wait3A_167, %dma_wait3A_168] : memref<10000x64xf32, #tpu.memory_space<hbm>> -> memref<80x64xf32, #tpu.memory_space<hbm>>
    tpu.wait_dma2 semaphore(%arg31 : memref<!tpu.dma_semaphore, #tpu.memory_space<semaphore_mem>>) src(%dma_wait3A_169 : memref<80x64xf32, #tpu.memory_space<hbm>>) dst(%arg15 : memref<80x64xf32, #tpu.memory_space<vmem>>)
    "tpu.region"() ({
      %run_scoped3A = tpu.sem_alloc : memref<!tpu.dma_semaphore, #tpu.memory_space<semaphore_mem>>
      %dma_start3A_195 = arith.constant 0 : i32
      %dma_start3A_196 = tpu.memref_slice %arg21[%arg1, %dma_start3A_195] : memref<16x10240xf32, #tpu.memory_space<vmem_shared>> -> memref<1x10240xf32, #tpu.memory_space<vmem_shared>>
      %dma_start3A_197 = tpu.memref_squeeze %dma_start3A_196 : memref<1x10240xf32, #tpu.memory_space<vmem_shared>> -> memref<10240xf32, #tpu.memory_space<vmem_shared>>
      %dma_start3A_198 = arith.constant 0 : i32
      %dma_start3A_199 = tpu.memref_slice %arg21[%arg1, %dma_start3A_198] : memref<16x10240xf32, #tpu.memory_space<vmem_shared>> -> memref<1x10240xf32, #tpu.memory_space<vmem_shared>>
      %dma_start3A_200 = tpu.memref_squeeze %dma_start3A_199 : memref<1x10240xf32, #tpu.memory_space<vmem_shared>> -> memref<10240xf32, #tpu.memory_space<vmem_shared>>
      tpu.enqueue_dma source(%arg17 : memref<10240xf32, #tpu.memory_space<vmem>>) target(%dma_start3A_200 : memref<10240xf32, #tpu.memory_space<vmem_shared>>) target_semaphore(%run_scoped3A : memref<!tpu.dma_semaphore, #tpu.memory_space<semaphore_mem>>)
      %dma_wait3A_201 = arith.constant 0 : i32
      %dma_wait3A_202 = tpu.memref_slice %arg21[%arg1, %dma_wait3A_201] : memref<16x10240xf32, #tpu.memory_space<vmem_shared>> -> memref<1x10240xf32, #tpu.memory_space<vmem_shared>>
      %dma_wait3A_203 = tpu.memref_squeeze %dma_wait3A_202 : memref<1x10240xf32, #tpu.memory_space<vmem_shared>> -> memref<10240xf32, #tpu.memory_space<vmem_shared>>
      %dma_wait3A_204 = arith.constant 0 : i32
      %dma_wait3A_205 = tpu.memref_slice %arg21[%arg1, %dma_wait3A_204] : memref<16x10240xf32, #tpu.memory_space<vmem_shared>> -> memref<1x10240xf32, #tpu.memory_space<vmem_shared>>
      %dma_wait3A_206 = tpu.memref_squeeze %dma_wait3A_205 : memref<1x10240xf32, #tpu.memory_space<vmem_shared>> -> memref<10240xf32, #tpu.memory_space<vmem_shared>>
      tpu.wait_dma2 semaphore(%run_scoped3A : memref<!tpu.dma_semaphore, #tpu.memory_space<semaphore_mem>>) src(%arg17 : memref<10240xf32, #tpu.memory_space<vmem>>) dst(%dma_wait3A_206 : memref<10240xf32, #tpu.memory_space<vmem_shared>>)
      tpu.yield
    }) : () -> ()
    %barrier3A_170 = arith.constant 0 : index
    tpu.barrier barrier_id(%barrier3A_170)
    %mul3A_171 = arith.constant 640 : i32
    %mul3A_172 = arith.muli %arg1, %mul3A_171 : i32
    %mul3A_173 = arith.constant 640 : i32
    %mul3A_174 = arith.muli %arg1, %mul3A_173 : i32
    %dma_start3A_175 = arith.constant 0 : i32
    %dma_start3A_176 = tpu.memref_slice %arg4[%arg0, %mul3A_174, %dma_start3A_175] : memref<2x10240x128xf32, #tpu.memory_space<hbm>> -> memref<1x640x64xf32, #tpu.memory_space<hbm>>
    %dma_start3A_177 = tpu.memref_squeeze %dma_start3A_176 : memref<1x640x64xf32, #tpu.memory_space<hbm>> -> memref<640x64xf32, #tpu.memory_space<hbm>>
    %dma_start3A_178 = arith.constant 0 : i32
    %dma_start3A_179 = tpu.memref_slice %arg20[%mul3A_172, %dma_start3A_178] : memref<10240x64xf32, #tpu.memory_space<vmem_shared>> -> memref<640x64xf32, #tpu.memory_space<vmem_shared>>
    tpu.enqueue_dma source(%dma_start3A_179 : memref<640x64xf32, #tpu.memory_space<vmem_shared>>) target(%dma_start3A_177 : memref<640x64xf32, #tpu.memory_space<hbm>>) target_semaphore(%arg22 : memref<!tpu.dma_semaphore, #tpu.memory_space<semaphore_mem>>)
    %mul3A_180 = arith.constant 640 : i32
    %mul3A_181 = arith.muli %arg1, %mul3A_180 : i32
    "tpu.region"() ({
      %run_scoped3A = tpu.sem_alloc : memref<!tpu.dma_semaphore, #tpu.memory_space<semaphore_mem>>
      %dma_start3A_195 = arith.constant 0 : i32
      %dma_start3A_196 = tpu.memref_slice %arg21[%dma_start3A_195, %mul3A_181] : memref<16x10240xf32, #tpu.memory_space<vmem_shared>> -> memref<16x640xf32, #tpu.memory_space<vmem_shared>>
      %dma_start3A_197 = arith.constant 0 : i32
      %dma_start3A_198 = tpu.memref_slice %arg21[%dma_start3A_197, %mul3A_181] : memref<16x10240xf32, #tpu.memory_space<vmem_shared>> -> memref<16x640xf32, #tpu.memory_space<vmem_shared>>
      tpu.enqueue_dma source(%dma_start3A_198 : memref<16x640xf32, #tpu.memory_space<vmem_shared>>) target(%arg18 : memref<16x640xf32, #tpu.memory_space<vmem>>) target_semaphore(%run_scoped3A : memref<!tpu.dma_semaphore, #tpu.memory_space<semaphore_mem>>)
      %dma_wait3A_199 = arith.constant 0 : i32
      %dma_wait3A_200 = tpu.memref_slice %arg21[%dma_wait3A_199, %mul3A_181] : memref<16x10240xf32, #tpu.memory_space<vmem_shared>> -> memref<16x640xf32, #tpu.memory_space<vmem_shared>>
      %dma_wait3A_201 = arith.constant 0 : i32
      %dma_wait3A_202 = tpu.memref_slice %arg21[%dma_wait3A_201, %mul3A_181] : memref<16x10240xf32, #tpu.memory_space<vmem_shared>> -> memref<16x640xf32, #tpu.memory_space<vmem_shared>>
      tpu.wait_dma2 semaphore(%run_scoped3A : memref<!tpu.dma_semaphore, #tpu.memory_space<semaphore_mem>>) src(%dma_wait3A_202 : memref<16x640xf32, #tpu.memory_space<vmem_shared>>) dst(%arg18 : memref<16x640xf32, #tpu.memory_space<vmem>>)
      tpu.yield
    }) : () -> ()
    %iota3A = tpu.iota {dimensions = array<i32: 0>} : vector<16xi32>
    %broadcast_in_dim3A = arith.constant 0 : i32
    %broadcast_in_dim3A_182 = vector.broadcast %broadcast_in_dim3A : i32 to vector<16xi32>
    %scan3A_183 = arith.constant 0 : i32
    %scan3A_184 = arith.constant 40 : i32
    %scan3A_185 = arith.addi %scan3A_183, %scan3A_184 : i32
    %scan3A_186 = arith.constant 1 : i32
    scf.for %scan3A_195 = %scan3A_183 to %scan3A_185 step %scan3A_186  : i32 {
      %mul3A_196 = arith.constant 16 : i32
      %mul3A_197 = arith.muli %scan3A_195, %mul3A_196 : i32
      %add3A_198 = arith.constant 0 : i32
      %add3A_199 = arith.addi %add3A_198, %mul3A_197 : i32
      %get3A = arith.constant 0 : i32
      %get3A_200 = arith.index_cast %get3A : i32 to index
      %get3A_201 = arith.index_cast %add3A_199 : i32 to index
      %get3A_202 = tpu.vector_load %arg18[%get3A_200, %get3A_201] {strides = array<i32>} : memref<16x640xf32, #tpu.memory_space<vmem>>, vector<16xf32>,
      %get3A_203 = arith.constant 1 : i32
      %get3A_204 = arith.index_cast %get3A_203 : i32 to index
      %get3A_205 = arith.index_cast %add3A_199 : i32 to index
      %get3A_206 = tpu.vector_load %arg18[%get3A_204, %get3A_205] {strides = array<i32>} : memref<16x640xf32, #tpu.memory_space<vmem>>, vector<16xf32>,
      %add3A_207 = arith.addf %get3A_202, %get3A_206 : vector<16xf32>
      %get3A_208 = arith.constant 2 : i32
      %get3A_209 = arith.index_cast %get3A_208 : i32 to index
      %get3A_210 = arith.index_cast %add3A_199 : i32 to index
      %get3A_211 = tpu.vector_load %arg18[%get3A_209, %get3A_210] {strides = array<i32>} : memref<16x640xf32, #tpu.memory_space<vmem>>, vector<16xf32>,
      %add3A_212 = arith.addf %add3A_207, %get3A_211 : vector<16xf32>
      %get3A_213 = arith.constant 3 : i32
      %get3A_214 = arith.index_cast %get3A_213 : i32 to index
      %get3A_215 = arith.index_cast %add3A_199 : i32 to index
      %get3A_216 = tpu.vector_load %arg18[%get3A_214, %get3A_215] {strides = array<i32>} : memref<16x640xf32, #tpu.memory_space<vmem>>, vector<16xf32>,
      %add3A_217 = arith.addf %add3A_212, %get3A_216 : vector<16xf32>
      %get3A_218 = arith.constant 4 : i32
      %get3A_219 = arith.index_cast %get3A_218 : i32 to index
      %get3A_220 = arith.index_cast %add3A_199 : i32 to index
      %get3A_221 = tpu.vector_load %arg18[%get3A_219, %get3A_220] {strides = array<i32>} : memref<16x640xf32, #tpu.memory_space<vmem>>, vector<16xf32>,
      %add3A_222 = arith.addf %add3A_217, %get3A_221 : vector<16xf32>
      %get3A_223 = arith.constant 5 : i32
      %get3A_224 = arith.index_cast %get3A_223 : i32 to index
      %get3A_225 = arith.index_cast %add3A_199 : i32 to index
      %get3A_226 = tpu.vector_load %arg18[%get3A_224, %get3A_225] {strides = array<i32>} : memref<16x640xf32, #tpu.memory_space<vmem>>, vector<16xf32>,
      %add3A_227 = arith.addf %add3A_222, %get3A_226 : vector<16xf32>
      %get3A_228 = arith.constant 6 : i32
      %get3A_229 = arith.index_cast %get3A_228 : i32 to index
      %get3A_230 = arith.index_cast %add3A_199 : i32 to index
      %get3A_231 = tpu.vector_load %arg18[%get3A_229, %get3A_230] {strides = array<i32>} : memref<16x640xf32, #tpu.memory_space<vmem>>, vector<16xf32>,
      %add3A_232 = arith.addf %add3A_227, %get3A_231 : vector<16xf32>
      %get3A_233 = arith.constant 7 : i32
      %get3A_234 = arith.index_cast %get3A_233 : i32 to index
      %get3A_235 = arith.index_cast %add3A_199 : i32 to index
      %get3A_236 = tpu.vector_load %arg18[%get3A_234, %get3A_235] {strides = array<i32>} : memref<16x640xf32, #tpu.memory_space<vmem>>, vector<16xf32>,
      %add3A_237 = arith.addf %add3A_232, %get3A_236 : vector<16xf32>
      %get3A_238 = arith.constant 8 : i32
      %get3A_239 = arith.index_cast %get3A_238 : i32 to index
      %get3A_240 = arith.index_cast %add3A_199 : i32 to index
      %get3A_241 = tpu.vector_load %arg18[%get3A_239, %get3A_240] {strides = array<i32>} : memref<16x640xf32, #tpu.memory_space<vmem>>, vector<16xf32>,
      %add3A_242 = arith.addf %add3A_237, %get3A_241 : vector<16xf32>
      %get3A_243 = arith.constant 9 : i32
      %get3A_244 = arith.index_cast %get3A_243 : i32 to index
      %get3A_245 = arith.index_cast %add3A_199 : i32 to index
      %get3A_246 = tpu.vector_load %arg18[%get3A_244, %get3A_245] {strides = array<i32>} : memref<16x640xf32, #tpu.memory_space<vmem>>, vector<16xf32>,
      %add3A_247 = arith.addf %add3A_242, %get3A_246 : vector<16xf32>
      %get3A_248 = arith.constant 10 : i32
      %get3A_249 = arith.index_cast %get3A_248 : i32 to index
      %get3A_250 = arith.index_cast %add3A_199 : i32 to index
      %get3A_251 = tpu.vector_load %arg18[%get3A_249, %get3A_250] {strides = array<i32>} : memref<16x640xf32, #tpu.memory_space<vmem>>, vector<16xf32>,
      %add3A_252 = arith.addf %add3A_247, %get3A_251 : vector<16xf32>
      %get3A_253 = arith.constant 11 : i32
      %get3A_254 = arith.index_cast %get3A_253 : i32 to index
      %get3A_255 = arith.index_cast %add3A_199 : i32 to index
      %get3A_256 = tpu.vector_load %arg18[%get3A_254, %get3A_255] {strides = array<i32>} : memref<16x640xf32, #tpu.memory_space<vmem>>, vector<16xf32>,
      %add3A_257 = arith.addf %add3A_252, %get3A_256 : vector<16xf32>
      %get3A_258 = arith.constant 12 : i32
      %get3A_259 = arith.index_cast %get3A_258 : i32 to index
      %get3A_260 = arith.index_cast %add3A_199 : i32 to index
      %get3A_261 = tpu.vector_load %arg18[%get3A_259, %get3A_260] {strides = array<i32>} : memref<16x640xf32, #tpu.memory_space<vmem>>, vector<16xf32>,
      %add3A_262 = arith.addf %add3A_257, %get3A_261 : vector<16xf32>
      %get3A_263 = arith.constant 13 : i32
      %get3A_264 = arith.index_cast %get3A_263 : i32 to index
      %get3A_265 = arith.index_cast %add3A_199 : i32 to index
      %get3A_266 = tpu.vector_load %arg18[%get3A_264, %get3A_265] {strides = array<i32>} : memref<16x640xf32, #tpu.memory_space<vmem>>, vector<16xf32>,
      %add3A_267 = arith.addf %add3A_262, %get3A_266 : vector<16xf32>
      %get3A_268 = arith.constant 14 : i32
      %get3A_269 = arith.index_cast %get3A_268 : i32 to index
      %get3A_270 = arith.index_cast %add3A_199 : i32 to index
      %get3A_271 = tpu.vector_load %arg18[%get3A_269, %get3A_270] {strides = array<i32>} : memref<16x640xf32, #tpu.memory_space<vmem>>, vector<16xf32>,
      %add3A_272 = arith.addf %add3A_267, %get3A_271 : vector<16xf32>
      %get3A_273 = arith.constant 15 : i32
      %get3A_274 = arith.index_cast %get3A_273 : i32 to index
      %get3A_275 = arith.index_cast %add3A_199 : i32 to index
      %get3A_276 = tpu.vector_load %arg18[%get3A_274, %get3A_275] {strides = array<i32>} : memref<16x640xf32, #tpu.memory_space<vmem>>, vector<16xf32>,
      %add3A_277 = arith.addf %add3A_272, %get3A_276 : vector<16xf32>
      %add3A_278 = vector.broadcast %add3A_199 : i32 to vector<16xi32>
      %add3A_279 = arith.addi %add3A_278, %iota3A : vector<16xi32>
      tpu.vector_store_idx %arg19[%add3A_279, %broadcast_in_dim3A_182], %add3A_277 : memref<640x16xf32, #tpu.memory_space<vmem>>[vector<16xi32>, vector<16xi32>], vector<16xf32>,
    }
    %scan3A_187 = arith.constant 40 : i32
    %mul3A_188 = arith.constant 640 : i32
    %mul3A_189 = arith.muli %arg1, %mul3A_188 : i32
    "tpu.region"() ({
      %run_scoped3A = tpu.sem_alloc : memref<!tpu.dma_semaphore, #tpu.memory_space<semaphore_mem>>
      %dma_start3A_195 = arith.constant 64 : i32
      %dma_start3A_196 = tpu.memref_slice %arg4[%arg0, %mul3A_189, %dma_start3A_195] : memref<2x10240x128xf32, #tpu.memory_space<hbm>> -> memref<1x640x16xf32, #tpu.memory_space<hbm>>
      %dma_start3A_197 = tpu.memref_squeeze %dma_start3A_196 : memref<1x640x16xf32, #tpu.memory_space<hbm>> -> memref<640x16xf32, #tpu.memory_space<hbm>>
      %dma_start3A_198 = arith.constant 64 : i32
      %dma_start3A_199 = tpu.memref_slice %arg4[%arg0, %mul3A_189, %dma_start3A_198] : memref<2x10240x128xf32, #tpu.memory_space<hbm>> -> memref<1x640x16xf32, #tpu.memory_space<hbm>>
      %dma_start3A_200 = tpu.memref_squeeze %dma_start3A_199 : memref<1x640x16xf32, #tpu.memory_space<hbm>> -> memref<640x16xf32, #tpu.memory_space<hbm>>
      tpu.enqueue_dma source(%arg19 : memref<640x16xf32, #tpu.memory_space<vmem>>) target(%dma_start3A_200 : memref<640x16xf32, #tpu.memory_space<hbm>>) target_semaphore(%run_scoped3A : memref<!tpu.dma_semaphore, #tpu.memory_space<semaphore_mem>>)
      %dma_wait3A_201 = arith.constant 64 : i32
      %dma_wait3A_202 = tpu.memref_slice %arg4[%arg0, %mul3A_189, %dma_wait3A_201] : memref<2x10240x128xf32, #tpu.memory_space<hbm>> -> memref<1x640x16xf32, #tpu.memory_space<hbm>>
      %dma_wait3A_203 = tpu.memref_squeeze %dma_wait3A_202 : memref<1x640x16xf32, #tpu.memory_space<hbm>> -> memref<640x16xf32, #tpu.memory_space<hbm>>
      %dma_wait3A_204 = arith.constant 64 : i32
      %dma_wait3A_205 = tpu.memref_slice %arg4[%arg0, %mul3A_189, %dma_wait3A_204] : memref<2x10240x128xf32, #tpu.memory_space<hbm>> -> memref<1x640x16xf32, #tpu.memory_space<hbm>>
      %dma_wait3A_206 = tpu.memref_squeeze %dma_wait3A_205 : memref<1x640x16xf32, #tpu.memory_space<hbm>> -> memref<640x16xf32, #tpu.memory_space<hbm>>
      tpu.wait_dma2 semaphore(%run_scoped3A : memref<!tpu.dma_semaphore, #tpu.memory_space<semaphore_mem>>) src(%arg19 : memref<640x16xf32, #tpu.memory_space<vmem>>) dst(%dma_wait3A_206 : memref<640x16xf32, #tpu.memory_space<hbm>>)
      tpu.yield
    }) : () -> ()
    %dma_wait3A_190 = arith.constant 0 : i32
    %dma_wait3A_191 = tpu.memref_slice %arg4[%arg0, %mul3A_174, %dma_wait3A_190] : memref<2x10240x128xf32, #tpu.memory_space<hbm>> -> memref<1x640x64xf32, #tpu.memory_space<hbm>>
    %dma_wait3A_192 = tpu.memref_squeeze %dma_wait3A_191 : memref<1x640x64xf32, #tpu.memory_space<hbm>> -> memref<640x64xf32, #tpu.memory_space<hbm>>
    %dma_wait3A_193 = arith.constant 0 : i32
    %dma_wait3A_194 = tpu.memref_slice %arg20[%mul3A_172, %dma_wait3A_193] : memref<10240x64xf32, #tpu.memory_space<vmem_shared>> -> memref<640x64xf32, #tpu.memory_space<vmem_shared>>
    tpu.wait_dma2 semaphore(%arg22 : memref<!tpu.dma_semaphore, #tpu.memory_space<semaphore_mem>>) src(%dma_wait3A_194 : memref<640x64xf32, #tpu.memory_space<vmem_shared>>) dst(%dma_wait3A_192 : memref<640x64xf32, #tpu.memory_space<hbm>>)
    return
  }
}

module attributes {stable_mosaic.version = 14 : i64} {
  func.func @_mm_body(%arg0: i32, %arg1: memref<64x128xf32, #tpu.memory_space<vmem>>, %arg2: memref<2000x128xf32, #tpu.memory_space<vmem>>, %arg3: memref<2000x64xf32, #tpu.memory_space<vmem>>) attributes {dimension_semantics = [#tpu.dimension_semantics<arbitrary>], iteration_bounds = array<i64: 5>, scalar_prefetch = 0 : i64, scratch_operands = 0 : i64, tpu.core_type = #tpu.core_type<tc>, window_params = [{pipeline_mode = #tpu.pipeline_mode<synchronous>, transform_indices = @transform_0, window_bounds = array<i64: 64, 128>}, {transform_indices = @transform_1, window_bounds = array<i64: 2000, 128>}, {transform_indices = @transform_2, window_bounds = array<i64: 2000, 64>}]} {
    %get3A = arith.constant 0 : index
    %get3A_0 = arith.constant 0 : index
    %get3A_1 = vector.load %arg2[%get3A, %get3A_0] : memref<2000x128xf32, #tpu.memory_space<vmem>>, vector<2000x128xf32>
    %get3A_2 = arith.constant 0 : index
    %get3A_3 = arith.constant 0 : index
    %get3A_4 = vector.load %arg1[%get3A_2, %get3A_3] : memref<64x128xf32, #tpu.memory_space<vmem>>, vector<64x128xf32>
    %dot_general3A = arith.constant dense<0.000000e+00> : vector<2000x64xf32>
    %dot_general3A_5 = tpu.matmul %get3A_1, %get3A_4, %dot_general3A {dimension_numbers = #tpu.dot_dimension_numbers<[1], [1], [0], [0], [0, 0, 1, 0], [], []>, precision = #tpu.contract_precision<fp32>, transpose_lhs_hint = false} : vector<2000x128xf32>, vector<64x128xf32>, vector<2000x64xf32> -> vector<2000x64xf32>
    %swap3A = arith.constant 0 : index
    %swap3A_6 = arith.constant 0 : index
    %swap3A_7 = vector.load %arg3[%swap3A, %swap3A_6] : memref<2000x64xf32, #tpu.memory_space<vmem>>, vector<2000x64xf32>
    tpu.vector_store %arg3[%swap3A, %swap3A_6], %dot_general3A_5 {strides = array<i32>} : memref<2000x64xf32, #tpu.memory_space<vmem>>, vector<2000x64xf32>,
    return
  }
  func.func @transform_0(%arg0: i32) -> (i32, i32) {
    %c0_i32 = arith.constant 0 : i32
    %c0_i32_0 = arith.constant 0 : i32
    %c0_i32_1 = arith.constant 0 : i32
    return %c0_i32, %c0_i32_0 : i32, i32
  }
  func.func @transform_1(%arg0: i32) -> (i32, i32) {
    %c0_i32 = arith.constant 0 : i32
    %c0_i32_0 = arith.constant 0 : i32
    return %arg0, %c0_i32 : i32, i32
  }
  func.func @transform_2(%arg0: i32) -> (i32, i32) {
    %c0_i32 = arith.constant 0 : i32
    %c0_i32_0 = arith.constant 0 : i32
    return %arg0, %c0_i32 : i32, i32
  }
}

module attributes {stable_mosaic.version = 14 : i64} {
  func.func @_mmb_body(%arg0: i32, %arg1: memref<64x128xf32, #tpu.memory_space<vmem>>, %arg2: memref<1x64xf32, #tpu.memory_space<vmem>>, %arg3: memref<2000x128xf32, #tpu.memory_space<vmem>>, %arg4: memref<2000x64xf32, #tpu.memory_space<vmem>>) attributes {dimension_semantics = [#tpu.dimension_semantics<arbitrary>], iteration_bounds = array<i64: 5>, scalar_prefetch = 0 : i64, scratch_operands = 0 : i64, tpu.core_type = #tpu.core_type<tc>, window_params = [{pipeline_mode = #tpu.pipeline_mode<synchronous>, transform_indices = @transform_0, window_bounds = array<i64: 64, 128>}, {pipeline_mode = #tpu.pipeline_mode<synchronous>, transform_indices = @transform_1, window_bounds = array<i64: 1, 64>}, {transform_indices = @transform_2, window_bounds = array<i64: 2000, 128>}, {transform_indices = @transform_3, window_bounds = array<i64: 2000, 64>}]} {
    %get3A = arith.constant 0 : index
    %get3A_0 = arith.constant 0 : index
    %get3A_1 = vector.load %arg3[%get3A, %get3A_0] : memref<2000x128xf32, #tpu.memory_space<vmem>>, vector<2000x128xf32>
    %get3A_2 = arith.constant 0 : index
    %get3A_3 = arith.constant 0 : index
    %get3A_4 = vector.load %arg1[%get3A_2, %get3A_3] : memref<64x128xf32, #tpu.memory_space<vmem>>, vector<64x128xf32>
    %dot_general3A = arith.constant dense<0.000000e+00> : vector<2000x64xf32>
    %dot_general3A_5 = tpu.matmul %get3A_1, %get3A_4, %dot_general3A {dimension_numbers = #tpu.dot_dimension_numbers<[1], [1], [0], [0], [0, 0, 1, 0], [], []>, precision = #tpu.contract_precision<fp32>, transpose_lhs_hint = false} : vector<2000x128xf32>, vector<64x128xf32>, vector<2000x64xf32> -> vector<2000x64xf32>
    %get3A_6 = arith.constant 0 : index
    %get3A_7 = arith.constant 0 : index
    %get3A_8 = vector.load %arg2[%get3A_6, %get3A_7] : memref<1x64xf32, #tpu.memory_space<vmem>>, vector<1x64xf32>
    %add3A = vector.broadcast %get3A_8 : vector<1x64xf32> to vector<2000x64xf32>
    %add3A_9 = arith.addf %dot_general3A_5, %add3A : vector<2000x64xf32>
    %swap3A = arith.constant 0 : index
    %swap3A_10 = arith.constant 0 : index
    %swap3A_11 = vector.load %arg4[%swap3A, %swap3A_10] : memref<2000x64xf32, #tpu.memory_space<vmem>>, vector<2000x64xf32>
    tpu.vector_store %arg4[%swap3A, %swap3A_10], %add3A_9 {strides = array<i32>} : memref<2000x64xf32, #tpu.memory_space<vmem>>, vector<2000x64xf32>,
    return
  }
  func.func @transform_0(%arg0: i32) -> (i32, i32) {
    %c0_i32 = arith.constant 0 : i32
    %c0_i32_0 = arith.constant 0 : i32
    %c0_i32_1 = arith.constant 0 : i32
    return %c0_i32, %c0_i32_0 : i32, i32
  }
  func.func @transform_1(%arg0: i32) -> (i32, i32) {
    %c0_i32 = arith.constant 0 : i32
    %c0_i32_0 = arith.constant 0 : i32
    %c0_i32_1 = arith.constant 0 : i32
    return %c0_i32, %c0_i32_0 : i32, i32
  }
  func.func @transform_2(%arg0: i32) -> (i32, i32) {
    %c0_i32 = arith.constant 0 : i32
    %c0_i32_0 = arith.constant 0 : i32
    return %arg0, %c0_i32 : i32, i32
  }
  func.func @transform_3(%arg0: i32) -> (i32, i32) {
    %c0_i32 = arith.constant 0 : i32
    %c0_i32_0 = arith.constant 0 : i32
    return %arg0, %c0_i32 : i32, i32
  }
}

module attributes {stable_mosaic.version = 14 : i64} {
  func.func @_post_body(%arg0: i32, %arg1: memref<2x2000x128xf32, #tpu.memory_space<vmem>>, %arg2: memref<2000x64xf32, #tpu.memory_space<vmem>>, %arg3: memref<2000x64xf32, #tpu.memory_space<vmem>>) attributes {dimension_semantics = [#tpu.dimension_semantics<arbitrary>], iteration_bounds = array<i64: 5>, scalar_prefetch = 0 : i64, scratch_operands = 0 : i64, tpu.core_type = #tpu.core_type<tc>, window_params = [{transform_indices = @transform_0, window_bounds = array<i64: 2, 2000, 128>}, {transform_indices = @transform_1, window_bounds = array<i64: 2000, 64>}, {transform_indices = @transform_2, window_bounds = array<i64: 2000, 64>}]} {
    %get3A = arith.constant 0 : index
    %get3A_0 = arith.constant 0 : index
    %get3A_1 = arith.constant 0 : index
    %get3A_2 = vector.load %arg1[%get3A, %get3A_0, %get3A_1] : memref<2x2000x128xf32, #tpu.memory_space<vmem>>, vector<1x2000x64xf32>
    %get3A_3 = vector.shape_cast %get3A_2 : vector<1x2000x64xf32> to vector<2000x64xf32>
    %get3A_4 = arith.constant 1 : index
    %get3A_5 = arith.constant 0 : index
    %get3A_6 = arith.constant 0 : index
    %get3A_7 = vector.load %arg1[%get3A_4, %get3A_5, %get3A_6] : memref<2x2000x128xf32, #tpu.memory_space<vmem>>, vector<1x2000x64xf32>
    %get3A_8 = vector.shape_cast %get3A_7 : vector<1x2000x64xf32> to vector<2000x64xf32>
    %add3A = arith.addf %get3A_3, %get3A_8 : vector<2000x64xf32>
    %get3A_9 = arith.constant 0 : index
    %get3A_10 = arith.constant 0 : index
    %get3A_11 = arith.constant 64 : index
    %get3A_12 = vector.load %arg1[%get3A_9, %get3A_10, %get3A_11] : memref<2x2000x128xf32, #tpu.memory_space<vmem>>, vector<1x2000x1xf32>
    %get3A_13 = vector.shape_cast %get3A_12 : vector<1x2000x1xf32> to vector<2000x1xf32>
    %get3A_14 = arith.constant 1 : index
    %get3A_15 = arith.constant 0 : index
    %get3A_16 = arith.constant 64 : index
    %get3A_17 = vector.load %arg1[%get3A_14, %get3A_15, %get3A_16] : memref<2x2000x128xf32, #tpu.memory_space<vmem>>, vector<1x2000x1xf32>
    %get3A_18 = vector.shape_cast %get3A_17 : vector<1x2000x1xf32> to vector<2000x1xf32>
    %add3A_19 = arith.addf %get3A_13, %get3A_18 : vector<2000x1xf32>
    %max3A = arith.constant 1.000000e+00 : f32
    %max3A_20 = vector.broadcast %max3A : f32 to vector<2000x1xf32>
    %max3A_21 = arith.maximumf %add3A_19, %max3A_20 : vector<2000x1xf32>
    %div3A = vector.broadcast %max3A_21 : vector<2000x1xf32> to vector<2000x64xf32>
    %div3A_22 = arith.divf %add3A, %div3A : vector<2000x64xf32>
    %get3A_23 = arith.constant 0 : index
    %get3A_24 = arith.constant 0 : index
    %get3A_25 = vector.load %arg2[%get3A_23, %get3A_24] : memref<2000x64xf32, #tpu.memory_space<vmem>>, vector<2000x64xf32>
    %add3A_26 = arith.addf %div3A_22, %get3A_25 : vector<2000x64xf32>
    %reduce_max3A = arith.constant dense<0xFF800000> : vector<2000xf32>
    %reduce_max3A_27 = vector.multi_reduction <maximumf>, %add3A_26, %reduce_max3A [1] : vector<2000x64xf32> to vector<2000xf32>
    %broadcast_in_dim3A = vector.shape_cast %reduce_max3A_27 : vector<2000xf32> to vector<2000x1xf32>
    %sub3A = vector.broadcast %broadcast_in_dim3A : vector<2000x1xf32> to vector<2000x64xf32>
    %sub3A_28 = arith.subf %add3A_26, %sub3A : vector<2000x64xf32>
    %exp3A = math.exp %sub3A_28 : vector<2000x64xf32>
    %reduce_sum3A = arith.constant dense<0.000000e+00> : vector<2000xf32>
    %reduce_sum3A_29 = vector.multi_reduction <add>, %exp3A, %reduce_sum3A [1] : vector<2000x64xf32> to vector<2000xf32>
    %broadcast_in_dim3A_30 = vector.shape_cast %reduce_sum3A_29 : vector<2000xf32> to vector<2000x1xf32>
    %log3A = math.log %broadcast_in_dim3A_30 : vector<2000x1xf32>
    %sub3A_31 = vector.broadcast %log3A : vector<2000x1xf32> to vector<2000x64xf32>
    %sub3A_32 = arith.subf %sub3A_28, %sub3A_31 : vector<2000x64xf32>
    %swap3A = arith.constant 0 : index
    %swap3A_33 = arith.constant 0 : index
    %swap3A_34 = vector.load %arg3[%swap3A, %swap3A_33] : memref<2000x64xf32, #tpu.memory_space<vmem>>, vector<2000x64xf32>
    tpu.vector_store %arg3[%swap3A, %swap3A_33], %sub3A_32 {strides = array<i32>} : memref<2000x64xf32, #tpu.memory_space<vmem>>, vector<2000x64xf32>,
    return
  }
  func.func @transform_0(%arg0: i32) -> (i32, i32, i32) {
    %c0_i32 = arith.constant 0 : i32
    %c0_i32_0 = arith.constant 0 : i32
    %c0_i32_1 = arith.constant 0 : i32
    return %c0_i32, %arg0, %c0_i32_0 : i32, i32, i32
  }
  func.func @transform_1(%arg0: i32) -> (i32, i32) {
    %c0_i32 = arith.constant 0 : i32
    %c0_i32_0 = arith.constant 0 : i32
    return %arg0, %c0_i32 : i32, i32
  }
  func.func @transform_2(%arg0: i32) -> (i32, i32) {
    %c0_i32 = arith.constant 0 : i32
    %c0_i32_0 = arith.constant 0 : i32
    return %arg0, %c0_i32 : i32, i32
  }
}

</mosaic_0001>

<sc_bundles>
// kernel: kernel.6.cloned.1.call-start
scs
__scs_entry_jumppad:
0x0: {  	(pc) =	sbr.rel $0x88, $3  }
0x1: {  	(tag) =	ssettag $0x0;
	lr =	simm.s32 $0x1  }
0x2: {  	[smem:$0x3F9C] =	sst lr;
	_ =	strace $0xD0000000  }
0x3: {  	_ = 	snop  }
0x4: {  	_ = 	snop  }
0x5: {  	_ = 	snop  }
0x6: {  	_ = 	snop  }
0x7: {  	_ = 	snop  }
__scs_overlays_trampoline_lowered:
0x8: {  	[smem:$0x3FAB] =	sst s0  }
0x9: {  	[smem:$0x3FAC] =	sst s1  }
0xa: {  	[smem:$0x3FAD] =	sst s2  }
0xb: {  	[smem:$0x3FAE] =	sst s3  }
0xc: {  	[smem:$0x3FAF] =	sst s4  }
0xd: {  	[smem:$0x3FB0] =	sst s5  }
0xe: {  	[smem:$0x3FB1] =	sst s6  }
0xf: {  	[smem:$0x3FB2] =	sst s7  }
0x10: {  	[smem:$0x3FB3] =	sst s8  }
0x11: {  	[smem:$0x3FB4] =	sst s9;
	s0 =	simm.s32 @!p0 $0x0  }
0x12: {  	s1 =	sld [smem:$0x3F9A];
	s0 =	simm.s32 @p0 $0x1  }
0x13: {  	[smem:$0x3FB5] =	sst s0;
	s0 =	simm.s32 @!p1 $0x0  }
0x14: {  	s2 =	sld [smem:$0x3F99];
	s0 =	simm.s32 @p1 $0x1  }
0x15: {  	[smem:$0x3FB6] =	sst s0;
	s0 =	simm.s32 @!p2 $0x0  }
0x16: {  	s3 =	sld [smem:$0x3FDB];
	s0 =	simm.s32 @p2 $0x1  }
0x17: {  	s4 =	simm.s32 $0x1BF5;
	[smem:$0x3FB8] =	sst s0  }
0x18: {  	s0 =	sld [smem:$0x3F9B];
	_ =	swait.ge [sflag:s4], $0x0  }
0x19: {  	s7 =	sld [smem:$0x3F9C]  }
0x1a: {  	s8 =	sadd.s32 $0xFFFFE003, lr  }
0x1b: {  	s9 =	sadd.s32 $0xFFFFFEF7, lr;
	s5 =	simm.s32 $0xFFFFFFFF;
	p2 =	slt.u32 s8, $0xFFFFF086  }
0x1c: {  	p1 =	slt.u32 s9, $0xF7A;
	s5 =	simm.s32 @!p2 $0x0  }
0x1d: {  	s5 =	simm.s32 @p1 $0x1;
	p0 =	seq.s32 s7, s2  }
0x1e: {  	s7 =	smul.u32 @!p0 $0xF7A, s2;
	p2 =	seq.s32 @!p0 s5, $0x0  }
0x1f: {  	s9 =	smul.u32 $0xF7A, s1;
	s8 =	simm.s32 @!p0 $0x1BF5;
	p2 =	por !p2, p0  }
0x20: {  	[sflag:s8] =	ssyncset.s32 @!p0 $0xFFFFF086;
	s6 =	sadd.s32 @!p0 s3, s7;
	s7 =	simm.s32 @!p0 $0x108  }
0x21: {  	s3 =	sadd.s32 s3, s9;
	s6 =	sadd.s32 @!p0 $0x88, s6;
	s7 =	simm.s32 @p2 $0x1082  }
0x22: {  	[simem:s7], [sflag:s8] =	dma.local @!p0 [hbm:s6], $0xF7A  }
0x23: {  	s9 =	sor.u32 $0xD0000000, s2;
	s6 =	simm.s32 $0x108;
	_ =	swait.ge @!p0 [sflag:s8], $0x0  }
0x24: {  	s3 =	sadd.s32 $0x88, s3;
	s6 =	simm.s32 @!p1 $0x1082;
	[sflag:s4] =	ssyncset.s32 $0xFFFFF086  }
0x25: {  	[simem:s6], [sflag:s4] =	dma.local [hbm:s3], $0xF7A  }
0x26: {  	[smem:$0x3F9C] =	sst s1;
	(tag) =	ssettag s2;
	_ =	strace s9  }
0x27: {  	s1 =	sld [smem:$0x3FAC]  }
0x28: {  	s2 =	sld [smem:$0x3FAD]  }
0x29: {  	s4 =	sld [smem:$0x3FAF]  }
0x2a: {  	p0 =	seq.s32 s5, $0x0;
	s5 =	sld [smem:$0x3FB0]  }
0x2b: {  	s6 =	sld [smem:$0x3FB1]  }
0x2c: {  	s7 =	sld [smem:$0x3FB2]  }
0x2d: {  	s3 =	simm.s32 $0x108;
	s8 =	sld [smem:$0x3FB3]  }
0x2e: {  	s3 =	simm.s32 @!p0 $0x1082;
	s9 =	sld [smem:$0x3FB4]  }
0x2f: {  	lr =	sadd.s32 s0, s3;
	s0 =	sld [smem:$0x3FAB]  }
0x30: {  	s3 =	sld [smem:$0x3FAE]  }
0x31: {  	[smem:$0x3FB7] =	sst s10  }
0x32: {  	s10 =	sld [smem:$0x3FB5];
	_ =	sdelay $0x3  }
0x33: {  	p0 =	seq.s32 s10, $0x1;
	s10 =	sld [smem:$0x3FB7];
	_ =	sdelay $0x3  }
0x34: {  	[smem:$0x3FB7] =	sst s10  }
0x35: {  	s10 =	sld [smem:$0x3FB6];
	_ =	sdelay $0x3  }
0x36: {  	p1 =	seq.s32 s10, $0x1;
	s10 =	sld [smem:$0x3FB7];
	_ =	sdelay $0x3  }
0x37: {  	[smem:$0x3FB7] =	sst s10  }
0x38: {  	s10 =	sld [smem:$0x3FB8]  }
0x39: {  	_ = 	snop;
	(pc) =	sbr.ind lr, $3  }
0x3a: {  	_ = 	snop  }
0x3b: {  	_ = 	snop  }
0x3c: {  	p2 =	seq.s32 s10, $0x1;
	s10 =	sld [smem:$0x3FB7]  }
0x3d: {  	_ =	shalt  }
0x3e: {  	_ =	shalt  }
0x3f: {  	_ =	shalt  }
0x40: {  	_ =	shalt  }
0x41: {  	_ =	shalt  }
0x42: {  	_ =	shalt  }
0x43: {  	_ =	shalt  }
0x44: {  	_ =	shalt  }
0x45: {  	_ =	shalt  }
0x46: {  	_ =	shalt  }
0x47: {  	_ =	shalt  }
0x48: {  	_ =	shalt  }
0x49: {  	_ =	shalt  }
0x4a: {  	_ =	shalt  }
0x4b: {  	_ =	shalt  }
0x4c: {  	_ =	shalt  }
0x4d: {  	_ =	shalt  }
0x4e: {  	_ =	shalt  }
0x4f: {  	_ =	shalt  }
0x50: {  	_ =	shalt  }
0x51: {  	_ =	shalt  }
0x52: {  	_ =	shalt  }
0x53: {  	_ =	shalt  }
0x54: {  	_ =	shalt  }
0x55: {  	_ =	shalt  }
0x56: {  	_ =	shalt  }
0x57: {  	_ =	shalt  }
0x58: {  	_ =	shalt  }
0x59: {  	_ =	shalt  }
0x5a: {  	_ =	shalt  }
0x5b: {  	_ =	shalt  }
0x5c: {  	_ =	shalt  }
0x5d: {  	_ =	shalt  }
0x5e: {  	_ =	shalt  }
0x5f: {  	_ =	shalt  }
0x60: {  	_ =	shalt  }
0x61: {  	_ =	shalt  }
0x62: {  	_ =	shalt  }
0x63: {  	_ =	shalt  }
0x64: {  	_ =	shalt  }
0x65: {  	_ =	shalt  }
0x66: {  	_ =	shalt  }
0x67: {  	_ =	shalt  }
0x68: {  	_ =	shalt  }
0x69: {  	_ =	shalt  }
0x6a: {  	_ =	shalt  }
0x6b: {  	_ =	shalt  }
0x6c: {  	_ =	shalt  }
0x6d: {  	_ =	shalt  }
0x6e: {  	_ =	shalt  }
0x6f: {  	_ =	shalt  }
0x70: {  	_ =	shalt  }
0x71: {  	_ =	shalt  }
0x72: {  	_ =	shalt  }
0x73: {  	_ =	shalt  }
0x74: {  	_ =	shalt  }
0x75: {  	_ =	shalt  }
0x76: {  	_ =	shalt  }
0x77: {  	_ =	shalt  }
0x78: {  	_ =	shalt  }
0x79: {  	_ =	shalt  }
0x7a: {  	_ =	shalt  }
0x7b: {  	_ =	shalt  }
0x7c: {  	_ =	shalt  }
0x7d: {  	_ =	shalt  }
0x7e: {  	_ =	shalt  }
0x7f: {  	_ =	shalt  }
0x80: {  	_ =	shalt  }
0x81: {  	_ =	shalt  }
0x82: {  	_ =	shalt  }
0x83: {  	_ =	shalt  }
0x84: {  	_ =	shalt  }
0x85: {  	_ =	shalt  }
0x86: {  	_ =	shalt  }
0x87: {  	_ =	shalt  }
.Lfunc_end0:
.L_simem_size_0:
called_computation_lowered:
.L_overlay_start_0:
0x88: {  	s2 =	sld [smem:$0x3FD9]  }
0x89: {  	s3 =	sld [smem:$0x3FFE];
	_ =	sdelay $0x1  }
0x8a: {  	s1 =	srdreg.scid  }
0x8b: {  	s0 =	sand.u32 $0x1, s1  }
0x8c: {  	s17 =	sshll.u32 s0, $0xA;
	s2 =	sadd.s32 s3, s2  }
0x8d: {  	s2 =	sadd.s32 s2, s17  }
0x8e: {  	[smem:$0x3FC3] =	sst s2  }
0x8f: {  	_ = 	snop  }
0x90: {  	s2 =	sld [smem:$0x3FD0];
	(tm) =	ssettm $0x1  }
0x91: {  	s18 =	sld [smem:$0x3FFB];
	_ =	sdelay $0x3  }
0x92: {  	_ =	strace s18  }
0x93: {  	s3 =	sld [smem:$0x3FFC];
	_ =	sdelay $0x3  }
0x94: {  	_ =	strace s3  }
0x95: {  	s3 =	sld [smem:$0x3FFD];
	_ =	sdelay $0x3  }
0x96: {  	_ =	strace s3  }
0x97: {  	_ =	strace $0x8FFFFFFF  }
0x98: {  	s19 =	sld [smem:$0x3FDB];
	_ =	sdelay $0x1  }
0x99: {  	s4 =	simm.s32 $_scs_section_size  }
0x9a: {  	s5 =	simm.s32 $_size__tile_overlayer_lowered;
	s6 =	simm.s32 $_tile_overlayer_lowered  }
0x9b: {  	s22 =	simm.s32 $0x1BFF;
	s21 =	sshll.u32 s6, $0x1;
	s3 =	sadd.s32 s4, s19  }
0x9c: {  	s7 =	simm.s32 $0x0;
	s20 =	sshll.u32 s5, $0x1;
	s5 =	sadd.s32 s21, s3  }
0x9d: {  	[timem:s7], [sflag:s22] =	dma.local [hbm:s5], s20  }
0x9e: {  	_ =	swait.ge [sflag:s22], s20  }
0x9f: {  	s4 =	ssub.s32 $0x0, s20;
	[sflag:s22] =	ssyncset.done $0x0  }
0xa0: {  	[sflag:s22] =	ssyncadd.s32 s4;
	_ =	sdelay $0x1  }
0xa1: {  	s23 =	simm.s32 $0x1B8B  }
0xa2: {  	_ =	swait.ge [sflag:s23], $0x1  }
0xa3: {  	[sflag:s23] =	ssyncset.done $0x0  }
0xa4: {  	s25 =	simm.s32 $0x1B8E;
	s24 =	sld [smem:$0x3FFE];
	[sflag:s23] =	ssyncadd.s32 $0xFFFFFFFF  }
0xa5: {  	s26 =	simm.s32 $execute0_lowered;
	[smem:$0x3FD2] =	sst s25  }
0xa6: {  	s5 =	sshll.u32 s26, $0x1;
	_ =	strace $0x80000046;
	[dreg:$0x1] =	wrdreg $0xFFFFFFFF  }
0xa7: {  	s28 =	simm.s32 $_size_execute0_lowered;
	s3 =	sadd.s32 s3, s5;
	[dreg:$0x0] =	wrdreg $0x0  }
0xa8: {  	s5 =	sshll.u32 s28, $0x1;
	[dreg:$0x2] =	wrdreg s3  }
0xa9: {  	[dreg:$0x3] =	wrdreg s5  }
0xaa: {  	[dreg:$0x4] =	wrdreg $0xC0  }
0xab: {  	_ =	task [dreg:s7], $0x5FFFF  }
0xac: {  	[dreg:$0x1] =	wrdreg $0xFFFFFFFF  }
0xad: {  	[dreg:$0x0] =	wrdreg $0x60  }
0xae: {  	[dreg:$0x2] =	wrdreg s2  }
0xaf: {  	[dreg:$0x3] =	wrdreg s24  }
0xb0: {  	[dreg:$0x4] =	wrdreg $0x124A00  }
0xb1: {  	[dreg:$0x5] =	wrdreg $0x1C4A00  }
0xb2: {  	[dreg:$0x6] =	wrdreg $0x9  }
0xb3: {  	_ =	task.clear_ibuf [dreg:s7], $0x7FFFF;
	_ =	strace $0x90000046  }
0xb4: {  	s29 =	simm.s32 $0x9;
	_ =	strace $0x80000048  }
0xb5: {  	_ =	swait.ge [sflag:s29], $0x1  }
0xb6: {  	[sflag:s29] =	ssyncadd.s32 $0xFFFFFFFF  }
0xb7: {  	_ =	strace $0x90000048  }
0xb8: {  	_ =	sfence  }
0xb9: {  	s30 =	sld [smem:$0x0];
	_ =	sdelay $0x2  }
0xba: {  	s31 =	sshll.u32 s1, $0xD;
	s1 =	sshrl.u32 s1, $0x2  }
0xbb: {  	s3 =	sand.u32 $0x4000, s31;
	s1 =	sadd.s32 s1, s30  }
0xbc: {  	s0 =	sor.u32 s3, s0;
	s1 =	sshll.u32 s1, $0x11  }
0xbd: {  	s0 =	sor.u32 s1, s0  }
0xbe: {  	s0 =	sadd.s32 $0x8F2B, s0  }
0xbf: {  	[sflag:s0] =	ssyncadd.remote.s32 $0x1  }
0xc0: {  	_ =	sfence.sel $0xFFFF  }
0xc1: {  	[dreg:$0x0] =	wrdreg $0xFFFFFFFF;
	(pc) =	sbr.abs _section_cstart, $3  }
0xc2: {  	[dreg:$0x1] =	wrdreg $0xFFFFFFFF  }
0xc3: {  	_ =	task.clear_ibuf [dreg:s7], $0x2FFFF;
	_ =	strace $0x9FFFFFFF  }
0xc4: {  	(tm) =	ssettm $0x7FFFFFFF  }
0xc5: {  	_ =	shalt  }
tec
execute0_lowered:
.L_overlay_start_1:
0x0: {  	(tag) =	ssettag $0x1  }
0x1: {  	s1 =	rddreg [dreg:$0x0]  }
0x2: {  	s0 =	rddreg [dreg:$0x1]  }
0x3: {  	s2 =	rddreg [dreg:$0x2]  }
0x4: {  	s3 =	rddreg [dreg:$0x3];
	s12 =	stileid.u32  }
0x5: {  	s4 =	srdreg.scid;
	s29 =	simm.s32 $0x27B0;
	s7 =	smul.u32 $0x14000, s12  }
0x6: {  	s31 =	simm.s32 $0x64A0;
	s28 =	simm.s32 $0x50A0;
	s9 =	smul.u32 $0x28000, s12  }
0x7: {  	s30 =	simm.s32 $0x78A0;
	s5 =	sand.u32 $0x1, s4;
	s20 =	smul.u32 $0xA000, s12  }
0x8: {  	s4 =	simm.s32 $0x0;
	s8 =	sadd.s32 $0x1800, s0;
	s23 =	smul.u32 $0x4E20, s12  }
0x9: {  	s17 =	sshll.u32 s12, $0x1;
	s14 =	smul.u32 $0xA00, s12;
	s12 =	simm.s32 $0x50A0  }
0xa: {  	s6 =	smul.u32 $0x140000, s5;
	[smem:$0x7FF] =	sst s4;
	s10 =	ssub.s32 $0x2, s5  }
0xb: {  	_ =	strace $0x80000047;
	s11 =	sshrl.u32 s10, $0x1;
	s9 =	sshrl.u32 s9, $0x2  }
0xc: {  	s16 =	sshrl.u32 s14, $0x2;
	s14 =	simm.s32 $0x28A0;
	s6 =	sadd.s32 s7, s6  }
0xd: {  	s7 =	sor.u32 s5, s17;
	s5 =	smul.u32 $0x2710, s5;
	s6 =	sshrl.u32 s6, $0x3  }
0xe: {  	s0 =	sadd.s32 s6, s0;
	s6 =	ssub.s32 s10, s11;
	s11 =	sadd.s32 s9, s2  }
0xf: {  	s7 =	smul.u32 $0x2710, s7;
	s9 =	sadd.s32 $0x2000, s11;
	[dreg:$0x5] =	wrdreg s11  }
0x10: {  	s5 =	sadd.s32 s5, s23;
	s18 =	sadd.s32 $0x4000, s11;
	[dreg:$0x6] =	wrdreg s9  }
0x11: {  	s7 =	sshrl.u32 s7, $0x3;
	s19 =	sadd.s32 $0x6000, s11;
	[dreg:$0x7] =	wrdreg s18  }
0x12: {  	s21 =	sadd.s32 $0x8000, s11;
	s17 =	sadd.s32 $0x4E480, s5;
	[dreg:$0x8] =	wrdreg s19  }
0x13: {  	s13 =	sadd.s32 s8, s7;
	[dreg:$0xa] =	wrdreg s21;
	s7 =	sshrl.u32 s20, $0x2  }
0x14: {  	s9 =	sadd.s32 $0x4E4D0, s5;
	s22 =	sadd.s32 $0x9C40, s13;
	[dreg:$0x9] =	wrdreg s13  }
0x15: {  	s19 =	sshrl.u32 s17, $0x3;
	s24 =	sadd.s32 $0x9C4A, s13;
	[dreg:$0xb] =	wrdreg s22  }
0x16: {  	s21 =	sadd.s32 $0x4E430, s5;
	s25 =	sadd.s32 $0x9C54, s13;
	[dreg:$0xc] =	wrdreg s24  }
0x17: {  	s17 =	simm.s32 $0x2710;
	s26 =	sadd.s32 $0x9C5E, s13;
	[dreg:$0xd] =	wrdreg s25  }
0x18: {  	s15 =	sadd.s32 $0x9C68, s13;
	s7 =	sadd.s32 s7, s3;
	[dreg:$0xe] =	wrdreg s26  }
0x19: {  	s3 =	sadd.s32 s16, s3;
	s18 =	sshrl.u32 s9, $0x3;
	[dreg:$0xf] =	wrdreg s15  }
0x1a: {  	s20 =	sadd.s32 s19, s8;
	s16 =	simm.s32 $0x3CA0;
	[dreg:$0x10] =	wrdreg s7  }
0x1b: {  	s13 =	simm.s32 $0x78A0;
	s19 =	simm.s32 $0xACA0;
	[dreg:$0x11] =	wrdreg s3  }
0x1c: {  	s9 =	simm.s32 $0x5;
	s3 =	sadd.s32 s18, s8;
	[dreg:$0x13] =	wrdreg s20  }
0x1d: {  	s22 =	sadd.s32 $0x4E3E0, s5;
	s5 =	sadd.s32 $0x4E390, s5;
	s25 =	sadd.s32 $0x15200, s0  }
0x1e: {  	s0 =	sadd.s32 $0x15208, s0;
	s26 =	smax.u32 s6, $0x1;
	s6 =	simm.s32 $0x50  }
0x1f: {  	s15 =	simm.s32 $0x2760;
	s20 =	simm.s32 $0x2850;
	[dreg:$0x12] =	wrdreg s3  }
0x20: {  	s18 =	simm.s32 $0x1;
	s3 =	sshrl.u32 s21, $0x3;
	[dreg:$0x17] =	wrdreg s25  }
0x21: {  	s23 =	sshrl.u32 s22, $0x3;
	s5 =	sshrl.u32 s5, $0x3;
	[dreg:$0x18] =	wrdreg s0  }
0x22: {  	[dreg:$0x19] =	wrdreg s26;
	s25 =	simm.s32 $0xD;
	s21 =	simm.s32 $0x4  }
0x23: {  	s22 =	simm.s32 $0xE;
	s26 =	simm.s32 $0xFCA0;
	s3 =	sadd.s32 s3, s8  }
0x24: {  	s0 =	simm.s32 $0x0;
	s24 =	sadd.s32 s5, s8;
	[dreg:$0x14] =	wrdreg s3  }
0x25: {  	v2 =	vlaneseq.u32;
	s5 =	simm.s32 $0xF;
	s3 =	sadd.s32 s23, s8;
	[dreg:$0x16] =	wrdreg s24  }
0x26: {  	v0 =	vimm.f32 $0.0e+00;
	v1 =	vimm.f32 $1.000000000e+00;
	v2 =	vmul.u32 $0x10, v2;
	s23 =	simm.s32 $0xC;
	s24 =	simm.s32 $0x3;
	[dreg:$0x15] =	wrdreg s3  }
.LBB2_1:
0x27: {  	s8 =	simm.s32 $0x100;
	s7 =	simm.s32 $0x0  }
.LBB2_2:
0x28: {  	p0 =	sne.s32 s8, $0x7F00;
	[tilespmem:s7+$0x8CD0] =	vst v0;
	s10 =	smov.u32 s8;
	s8 =	sadd.s32 $0x100, s8  }
.Ltmp0:
0x29: {  	[tilespmem:s7+$0x8CC0] =	vst v0;
	(pc) =	sbr.rel @p0 .LBB2_2-.Ltmp0, $3  }
0x2a: {  	[tilespmem:s7+$0x8CA0] =	vst v0  }
0x2b: {  	[tilespmem:s7+$0x8CB0] =	vst v0;
	_ =	sdelay $0x1  }
0x2c: {  	s7 =	sshra.s32 s10, $0x2  }
0x2d: {  	[tilespmem:s7+$0x8CD0] =	vst v0  }
0x2e: {  	[tilespmem:s7+$0x8CC0] =	vst v0  }
0x2f: {  	[tilespmem:s7+$0x8CA0] =	vst v0  }
0x30: {  	[dreg:$0x1a] =	wrdreg s0;
	[tilespmem:s7+$0x8CB0] =	vst v0;
	s8 =	simm.s32 $0x8CA0  }
0x31: {  	[spmem:s11] =	stream.linear.scatter [tilespmem:s8], [sflag:$0x6], $0x2000, $0x38;
	[tilespmem:$0x1ECA0] =	vst v63  }
0x32: {  	s10 =	rddreg [dreg:$0x6]  }
0x33: {  	[spmem:s10] =	stream.linear.scatter [tilespmem:s8], [sflag:$0x7], $0x2000, $0x38;
	[tilespmem:$0x1ECA0] =	vst v63  }
0x34: {  	s11 =	rddreg [dreg:$0x7]  }
0x35: {  	[spmem:s11] =	stream.linear.scatter [tilespmem:s8], [sflag:$0x8], $0x2000, $0x38;
	[tilespmem:$0x1ECA0] =	vst v63  }
0x36: {  	s0 =	rddreg [dreg:$0x8]  }
0x37: {  	[spmem:s0] =	stream.linear.scatter [tilespmem:s8], [sflag:$0x9], $0x2000, $0x38;
	[tilespmem:$0x1ECA0] =	vst v63  }
0x38: {  	s3 =	rddreg [dreg:$0xa];
	s7 =	simm.s32 $0x40  }
0x39: {  	[spmem:s3] =	stream.linear.scatter [tilespmem:s8], [sflag:$0xA], $0x2000, $0x38;
	[tilespmem:$0x1ECA0] =	vst v63  }
0x3a: {  	s10 =	simm.s32 $0x0;
	s11 =	rddreg [dreg:$0x9];
	s8 =	simm.s32 $0x0  }
0x3b: {  	[tilespmem:s10], [sflag:$0xB] =	stream.linear.gather [hbm4b:s11+s10], $0x2710, $0x38;
	[tilespmem:$0x1ECA0] =	vst v63  }
.LBB2_4:
0x3c: {  	p0 =	sne.s32 s7, $0x9FC0;
	[tilespmem:s8+$0xACA0] =	vst v0;
	s8 =	smov.u32 s7;
	s7 =	sadd.s32 $0x40, s7  }
.Ltmp1:
0x3d: {  	(pc) =	sbr.rel @p0 .LBB2_4-.Ltmp1, $2  }
0x3e: {  	_ =	sdelay $0x2  }
0x3f: {  	s8 =	sshra.s32 s8, $0x2  }
0x40: {  	[tilespmem:s8+$0xACA0] =	vst v0;
	s7 =	simm.s32 $0x6  }
0x41: {  	_ =	swait.ge [sflag:s7], $0x2000  }
0x42: {  	[sflag:s7] =	ssyncset.done $0x0  }
0x43: {  	s0 =	simm.s32 $0x7;
	[sflag:s7] =	ssyncadd.s32 $0xFFFFE000  }
0x44: {  	_ =	swait.ge [sflag:s0], $0x2000  }
0x45: {  	[sflag:s0] =	ssyncset.done $0x0  }
0x46: {  	[sflag:s0] =	ssyncadd.s32 $0xFFFFE000;
	s0 =	simm.s32 $0x8  }
0x47: {  	_ =	swait.ge [sflag:s0], $0x2000  }
0x48: {  	[sflag:s0] =	ssyncset.done $0x0  }
0x49: {  	s3 =	simm.s32 $0x9;
	[sflag:s0] =	ssyncadd.s32 $0xFFFFE000  }
0x4a: {  	_ =	swait.ge [sflag:s3], $0x2000  }
0x4b: {  	[sflag:s3] =	ssyncset.done $0x0  }
0x4c: {  	s8 =	simm.s32 $0xA;
	[sflag:s3] =	ssyncadd.s32 $0xFFFFE000  }
0x4d: {  	_ =	swait.ge [sflag:s8], $0x2000  }
0x4e: {  	[sflag:s8] =	ssyncset.done $0x0  }
0x4f: {  	s10 =	simm.s32 $0xB;
	[sflag:s8] =	ssyncadd.s32 $0xFFFFE000  }
0x50: {  	_ =	swait.ge [sflag:s10], $0x2710  }
0x51: {  	[sflag:s10] =	ssyncset.done $0x0  }
0x52: {  	[sflag:s10] =	ssyncadd.s32 $0xFFFFD8F0  }
0x53: {  	s7 =	simm.s32 $0x0;
	[bflag:$0x0] =	sbarrier.arrive $0xFFFF  }
0x54: {  	[tilespmem:s14], [sflag:$0x1] =	stream.indirect.gather [hbm4b:s1+s6], $0x40, s7, s6, $0xb8;
	[tilespmem:$0x1ECA0] =	vst v63  }
0x55: {  	s11 =	rddreg [dreg:$0xb]  }
0x56: {  	[tilespmem:s17], [sflag:$0xB] =	stream.linear.gather [hbm4b:s11+s7], $0x50, $0x38;
	[tilespmem:$0x1ECA0] =	vst v63  }
0x57: {  	s0 =	rddreg [dreg:$0xc]  }
0x58: {  	[tilespmem:s16], [sflag:$0x2] =	stream.indirect.gather [hbm4b:s1+s6], $0x40, s6, s6, $0xb8;
	[tilespmem:$0x1ECA0] =	vst v63  }
0x59: {  	s10 =	rddreg [dreg:$0xd]  }
0x5a: {  	[tilespmem:s15], [sflag:$0xC] =	stream.linear.gather [hbm4b:s0+s7], $0x50, $0x38;
	[tilespmem:$0x1ECA0] =	vst v63  }
0x5b: {  	s3 =	simm.s32 $0xA0;
	s8 =	rddreg [dreg:$0x16]  }
0x5c: {  	[tilespmem:s12], [sflag:$0x3] =	stream.indirect.gather [hbm4b:s1+s6], $0x40, s3, s6, $0xb8;
	[tilespmem:$0x1ECA0] =	vst v63  }
0x5d: {  	s12 =	rddreg [dreg:$0xe]  }
0x5e: {  	[tilespmem:s29], [sflag:$0xD] =	stream.linear.gather [hbm4b:s10+s7], $0x50, $0x38;
	[tilespmem:$0x1ECA0] =	vst v63  }
0x5f: {  	s11 =	simm.s32 $0xF0;
	s10 =	rddreg [dreg:$0x15]  }
0x60: {  	[tilespmem:s31], [sflag:$0x4] =	stream.indirect.gather [hbm4b:s1+s6], $0x40, s11, s6, $0xb8;
	[tilespmem:$0x1ECA0] =	vst v63  }
0x61: {  	s0 =	simm.s32 $0x2800;
	s11 =	rddreg [dreg:$0x14]  }
0x62: {  	[tilespmem:s0], [sflag:$0xE] =	stream.linear.gather [hbm4b:s12+s7], $0x50, $0x38;
	[tilespmem:$0x1ECA0] =	vst v63  }
0x63: {  	s3 =	simm.s32 $0x140;
	s12 =	rddreg [dreg:$0x13]  }
0x64: {  	[tilespmem:s13], [sflag:$0x5] =	stream.indirect.gather [hbm4b:s1+s6], $0x40, s3, s6, $0xb8;
	[tilespmem:$0x1ECA0] =	vst v63  }
0x65: {  	s13 =	rddreg [dreg:$0xf]  }
0x66: {  	[tilespmem:s20], [sflag:$0xF] =	stream.linear.gather [hbm4b:s13+s7], $0x50, $0x38;
	[tilespmem:$0x1ECA0] =	vst v63  }
0x67: {  	s20 =	simm.s32 $0x2850;
	s13 =	rddreg [dreg:$0x12]  }
.LBB2_6:
0x68: {  	_ =	swait.ge [sflag:s18], $0x1400  }
0x69: {  	[sflag:s18] =	ssyncset.done $0x0  }
0x6a: {  	s3 =	simm.s32 $0xB;
	[sflag:s18] =	ssyncadd.s32 $0xFFFFEC00  }
0x6b: {  	_ =	swait.ge [sflag:s3], $0x50  }
0x6c: {  	[sflag:s3] =	ssyncset.done $0x0  }
0x6d: {  	[sflag:s3] =	ssyncadd.s32 $0xFFFFFFB0  }
0x6e: {  	[spmem:s2] =	stream.indirect.scatter.add.f32 [tilespmem:s14], [sflag:$0x6], $0x40, s17, s6, $0xb8;
	[tilespmem:$0x1ECA0] =	vst v63  }
0x6f: {  	v3 =	vld [tilespmem:$0x2710];
	_ =	sdelay $0x7  }
0x70: {  	[tilespmem:v3+s19+$0x0] =	vst.idx.add.f32.msk $0xffff, v1  }
0x71: {  	v3 =	vld [tilespmem:$0x2720];
	_ =	sdelay $0x7  }
0x72: {  	[tilespmem:v3+s19+$0x0] =	vst.idx.add.f32.msk $0xffff, v1  }
0x73: {  	v3 =	vld [tilespmem:$0x2730];
	_ =	sdelay $0x7  }
0x74: {  	[tilespmem:v3+s19+$0x0] =	vst.idx.add.f32.msk $0xffff, v1  }
0x75: {  	v3 =	vld [tilespmem:$0x2740];
	_ =	sdelay $0x7  }
0x76: {  	[tilespmem:v3+s19+$0x0] =	vst.idx.add.f32.msk $0xffff, v1  }
0x77: {  	v3 =	vld [tilespmem:$0x2750];
	_ =	sdelay $0x7  }
0x78: {  	s3 =	simm.s32 $0x2;
	[tilespmem:v3+s19+$0x0] =	vst.idx.add.f32.msk $0xffff, v1  }
0x79: {  	_ =	swait.ge [sflag:s3], $0x1400  }
0x7a: {  	[sflag:s3] =	ssyncset.done $0x0  }
0x7b: {  	[sflag:s3] =	ssyncadd.s32 $0xFFFFEC00  }
0x7c: {  	_ =	swait.ge [sflag:s23], $0x50  }
0x7d: {  	[sflag:s23] =	ssyncset.done $0x0  }
0x7e: {  	[sflag:s23] =	ssyncadd.s32 $0xFFFFFFB0  }
0x7f: {  	[spmem:s2] =	stream.indirect.scatter.add.f32 [tilespmem:s16], [sflag:$0x7], $0x40, s15, s6, $0xb8;
	[tilespmem:$0x1ECA0] =	vst v63  }
0x80: {  	v3 =	vld [tilespmem:$0x2760];
	_ =	sdelay $0x7  }
0x81: {  	[tilespmem:v3+s19+$0x0] =	vst.idx.add.f32.msk $0xffff, v1  }
0x82: {  	v3 =	vld [tilespmem:$0x2770];
	_ =	sdelay $0x7  }
0x83: {  	[tilespmem:v3+s19+$0x0] =	vst.idx.add.f32.msk $0xffff, v1  }
0x84: {  	v3 =	vld [tilespmem:$0x2780];
	_ =	sdelay $0x7  }
0x85: {  	[tilespmem:v3+s19+$0x0] =	vst.idx.add.f32.msk $0xffff, v1  }
0x86: {  	v3 =	vld [tilespmem:$0x2790];
	_ =	sdelay $0x7  }
0x87: {  	[tilespmem:v3+s19+$0x0] =	vst.idx.add.f32.msk $0xffff, v1  }
0x88: {  	v3 =	vld [tilespmem:$0x27A0];
	_ =	sdelay $0x7  }
0x89: {  	[tilespmem:v3+s19+$0x0] =	vst.idx.add.f32.msk $0xffff, v1  }
0x8a: {  	_ =	swait.ge [sflag:s24], $0x1400  }
0x8b: {  	[sflag:s24] =	ssyncset.done $0x0  }
0x8c: {  	[sflag:s24] =	ssyncadd.s32 $0xFFFFEC00  }
0x8d: {  	_ =	swait.ge [sflag:s25], $0x50  }
0x8e: {  	[sflag:s25] =	ssyncset.done $0x0  }
0x8f: {  	[sflag:s25] =	ssyncadd.s32 $0xFFFFFFB0  }
0x90: {  	[spmem:s2] =	stream.indirect.scatter.add.f32 [tilespmem:s28], [sflag:$0x8], $0x40, s29, s6, $0xb8;
	[tilespmem:$0x1ECA0] =	vst v63  }
0x91: {  	v3 =	vld [tilespmem:$0x27B0];
	_ =	sdelay $0x7  }
0x92: {  	[tilespmem:v3+s19+$0x0] =	vst.idx.add.f32.msk $0xffff, v1  }
0x93: {  	v3 =	vld [tilespmem:$0x27C0];
	_ =	sdelay $0x7  }
0x94: {  	[tilespmem:v3+s19+$0x0] =	vst.idx.add.f32.msk $0xffff, v1  }
0x95: {  	v3 =	vld [tilespmem:$0x27D0];
	_ =	sdelay $0x7  }
0x96: {  	[tilespmem:v3+s19+$0x0] =	vst.idx.add.f32.msk $0xffff, v1  }
0x97: {  	v3 =	vld [tilespmem:$0x27E0];
	_ =	sdelay $0x7  }
0x98: {  	[tilespmem:v3+s19+$0x0] =	vst.idx.add.f32.msk $0xffff, v1  }
0x99: {  	v3 =	vld [tilespmem:$0x27F0];
	_ =	sdelay $0x7  }
0x9a: {  	[tilespmem:v3+s19+$0x0] =	vst.idx.add.f32.msk $0xffff, v1  }
0x9b: {  	_ =	swait.ge [sflag:s21], $0x1400  }
0x9c: {  	[sflag:s21] =	ssyncset.done $0x0  }
0x9d: {  	[sflag:s21] =	ssyncadd.s32 $0xFFFFEC00  }
0x9e: {  	_ =	swait.ge [sflag:s22], $0x50  }
0x9f: {  	[sflag:s22] =	ssyncset.done $0x0  }
0xa0: {  	[sflag:s22] =	ssyncadd.s32 $0xFFFFFFB0  }
0xa1: {  	[spmem:s2] =	stream.indirect.scatter.add.f32 [tilespmem:s31], [sflag:$0x9], $0x40, s0, s6, $0xb8;
	[tilespmem:$0x1ECA0] =	vst v63  }
0xa2: {  	v3 =	vld [tilespmem:$0x2800];
	_ =	sdelay $0x7  }
0xa3: {  	[tilespmem:v3+s19+$0x0] =	vst.idx.add.f32.msk $0xffff, v1  }
0xa4: {  	v3 =	vld [tilespmem:$0x2810];
	_ =	sdelay $0x7  }
0xa5: {  	[tilespmem:v3+s19+$0x0] =	vst.idx.add.f32.msk $0xffff, v1  }
0xa6: {  	v3 =	vld [tilespmem:$0x2820];
	_ =	sdelay $0x7  }
0xa7: {  	[tilespmem:v3+s19+$0x0] =	vst.idx.add.f32.msk $0xffff, v1  }
0xa8: {  	v3 =	vld [tilespmem:$0x2830];
	_ =	sdelay $0x7  }
0xa9: {  	[tilespmem:v3+s19+$0x0] =	vst.idx.add.f32.msk $0xffff, v1  }
0xaa: {  	v3 =	vld [tilespmem:$0x2840];
	_ =	sdelay $0x7  }
0xab: {  	[tilespmem:v3+s19+$0x0] =	vst.idx.add.f32.msk $0xffff, v1  }
0xac: {  	_ =	swait.ge [sflag:s9], $0x1400  }
0xad: {  	[sflag:s9] =	ssyncset.done $0x0  }
0xae: {  	[sflag:s9] =	ssyncadd.s32 $0xFFFFEC00  }
0xaf: {  	_ =	swait.ge [sflag:s5], $0x50  }
0xb0: {  	[sflag:s5] =	ssyncset.done $0x0  }
0xb1: {  	[sflag:s5] =	ssyncadd.s32 $0xFFFFFFB0  }
0xb2: {  	[spmem:s2] =	stream.indirect.scatter.add.f32 [tilespmem:s30], [sflag:$0xA], $0x40, s20, s6, $0xb8;
	[tilespmem:$0x1ECA0] =	vst v63  }
0xb3: {  	v3 =	vld [tilespmem:$0x2850];
	_ =	sdelay $0x7  }
0xb4: {  	[tilespmem:v3+s19+$0x0] =	vst.idx.add.f32.msk $0xffff, v1  }
0xb5: {  	v3 =	vld [tilespmem:$0x2860];
	_ =	sdelay $0x7  }
0xb6: {  	[tilespmem:v3+s19+$0x0] =	vst.idx.add.f32.msk $0xffff, v1  }
0xb7: {  	v3 =	vld [tilespmem:$0x2870];
	_ =	sdelay $0x7  }
0xb8: {  	[tilespmem:v3+s19+$0x0] =	vst.idx.add.f32.msk $0xffff, v1  }
0xb9: {  	v3 =	vld [tilespmem:$0x2880];
	_ =	sdelay $0x7  }
0xba: {  	[tilespmem:v3+s19+$0x0] =	vst.idx.add.f32.msk $0xffff, v1  }
0xbb: {  	v3 =	vld [tilespmem:$0x2890];
	_ =	sdelay $0x5  }
0xbc: {  	p0 =	seq.s32 s7, $0x9600  }
.Ltmp2:
0xbd: {  	_ = 	snop;
	(pc) =	sbr.rel @p0 .LBB2_8-.Ltmp2, $4  }
0xbe: {  	s29 =	simm.s32 $0x6;
	[tilespmem:v3+s19+$0x0] =	vst.idx.add.f32.msk $0xffff, v1  }
0xbf: {  	_ =	swait.ge [sflag:s29], $0x1400  }
0xc0: {  	s3 =	simm.s32 $0x2800;
	[sflag:s29] =	ssyncset.done $0x0  }
0xc1: {  	s0 =	simm.s32 $0x64A0;
	s31 =	simm.s32 $0x27B0;
	[sflag:s29] =	ssyncadd.s32 $0xFFFFEC00  }
0xc2: {  	s14 =	sshra.s32 s7, $0x2  }
0xc3: {  	s17 =	simm.s32 $0x28A0;
	s16 =	sadd.s32 $0x190, s14  }
0xc4: {  	[tilespmem:s17], [sflag:$0x1] =	stream.indirect.gather [hbm4b:s1+s6], $0x40, s16, s6, $0xb8;
	[tilespmem:$0x1ECA0] =	vst v63  }
0xc5: {  	s17 =	simm.s32 $0x2710;
	s16 =	simm.s32 $0x7  }
0xc6: {  	[tilespmem:s17], [sflag:$0xB] =	stream.linear.gather [hbm4b:s8+s4], $0x50, $0x38;
	[tilespmem:$0x1ECA0] =	vst v63  }
0xc7: {  	_ =	swait.ge [sflag:s16], $0x1400  }
0xc8: {  	[sflag:s16] =	ssyncset.done $0x0  }
0xc9: {  	s15 =	simm.s32 $0x3CA0;
	[sflag:s16] =	ssyncadd.s32 $0xFFFFEC00;
	s16 =	sadd.s32 $0x1E0, s14  }
0xca: {  	[tilespmem:s15], [sflag:$0x2] =	stream.indirect.gather [hbm4b:s1+s6], $0x40, s16, s6, $0xb8;
	[tilespmem:$0x1ECA0] =	vst v63  }
0xcb: {  	s15 =	simm.s32 $0x2760;
	s16 =	simm.s32 $0x8  }
0xcc: {  	[tilespmem:s15], [sflag:$0xC] =	stream.linear.gather [hbm4b:s10+s4], $0x50, $0x38;
	[tilespmem:$0x1ECA0] =	vst v63  }
0xcd: {  	_ =	swait.ge [sflag:s16], $0x1400  }
0xce: {  	[sflag:s16] =	ssyncset.done $0x0  }
0xcf: {  	[sflag:s16] =	ssyncadd.s32 $0xFFFFEC00;
	s16 =	sadd.s32 $0x230, s14  }
0xd0: {  	[tilespmem:s28], [sflag:$0x3] =	stream.indirect.gather [hbm4b:s1+s6], $0x40, s16, s6, $0xb8;
	[tilespmem:$0x1ECA0] =	vst v63  }
0xd1: {  	s16 =	simm.s32 $0x9  }
0xd2: {  	[tilespmem:s31], [sflag:$0xD] =	stream.linear.gather [hbm4b:s11+s4], $0x50, $0x38;
	[tilespmem:$0x1ECA0] =	vst v63  }
0xd3: {  	_ =	swait.ge [sflag:s16], $0x1400  }
0xd4: {  	[sflag:s16] =	ssyncset.done $0x0  }
0xd5: {  	[sflag:s16] =	ssyncadd.s32 $0xFFFFEC00;
	s16 =	sadd.s32 $0x280, s14  }
0xd6: {  	[tilespmem:s0], [sflag:$0x4] =	stream.indirect.gather [hbm4b:s1+s6], $0x40, s16, s6, $0xb8;
	[tilespmem:$0x1ECA0] =	vst v63  }
0xd7: {  	_ = 	snop  }
0xd8: {  	[tilespmem:s3], [sflag:$0xE] =	stream.linear.gather [hbm4b:s12+s4], $0x50, $0x38;
	[tilespmem:$0x1ECA0] =	vst v63  }
0xd9: {  	s7 =	sadd.s32 $0x640, s7;
	s3 =	simm.s32 $0xA  }
0xda: {  	s29 =	simm.s32 $0x27B0;
	s8 =	sadd.s32 $0x32, s8;
	_ =	swait.ge [sflag:s3], $0x1400  }
0xdb: {  	s10 =	sadd.s32 $0x32, s10;
	s11 =	sadd.s32 $0x32, s11;
	[sflag:s3] =	ssyncset.done $0x0  }
.Ltmp3:
0xdc: {  	s14 =	sadd.s32 $0x2D0, s14;
	[sflag:s3] =	ssyncadd.s32 $0xFFFFEC00;
	(pc) =	sbr.rel .LBB2_6-.Ltmp3, $4  }
0xdd: {  	[tilespmem:s30], [sflag:$0x5] =	stream.indirect.gather [hbm4b:s1+s6], $0x40, s14, s6, $0xb8;
	[tilespmem:$0x1ECA0] =	vst v63  }
0xde: {  	s31 =	simm.s32 $0x64A0;
	s16 =	simm.s32 $0x3CA0;
	s0 =	simm.s32 $0x2800  }
0xdf: {  	[tilespmem:s20], [sflag:$0xF] =	stream.linear.gather [hbm4b:s13+s4], $0x50, $0x38;
	[tilespmem:$0x1ECA0] =	vst v63  }
0xe0: {  	s12 =	sadd.s32 $0x32, s12;
	s14 =	simm.s32 $0x28A0;
	s13 =	sadd.s32 $0x32, s13  }
.LBB2_8:
0xe1: {  	s7 =	simm.s32 $0x7  }
0xe2: {  	_ =	swait.ge [sflag:s7], $0x1400  }
0xe3: {  	[sflag:s7] =	ssyncset.done $0x0  }
0xe4: {  	s12 =	simm.s32 $0x8;
	[sflag:s7] =	ssyncadd.s32 $0xFFFFEC00  }
0xe5: {  	_ =	swait.ge [sflag:s12], $0x1400  }
0xe6: {  	[sflag:s12] =	ssyncset.done $0x0  }
0xe7: {  	s11 =	simm.s32 $0x9;
	[sflag:s12] =	ssyncadd.s32 $0xFFFFEC00  }
0xe8: {  	_ =	swait.ge [sflag:s11], $0x1400  }
0xe9: {  	[sflag:s11] =	ssyncset.done $0x0  }
0xea: {  	s0 =	simm.s32 $0xA;
	[sflag:s11] =	ssyncadd.s32 $0xFFFFEC00  }
0xeb: {  	_ =	swait.ge [sflag:s0], $0x1400  }
0xec: {  	[sflag:s0] =	ssyncset.done $0x0  }
0xed: {  	s13 =	rddreg [dreg:$0x10];
	[sflag:s0] =	ssyncadd.s32 $0xFFFFEC00;
	s0 =	simm.s32 $0x10  }
0xee: {  	[spmem:s13] =	stream.linear.scatter [tilespmem:s19], [sflag:$0x10], $0x2800, $0x38;
	[tilespmem:$0x1ECA0] =	vst v63  }
0xef: {  	_ =	swait.ge [sflag:s0], $0x2800  }
0xf0: {  	[sflag:s0] =	ssyncset.done $0x0  }
0xf1: {  	[sflag:s0] =	ssyncadd.s32 $0xFFFFD800  }
0xf2: {  	s20 =	stileid.u32;
	[bflag:$0x0] =	sbarrier.arrive $0xFFFF  }
0xf3: {  	s7 =	sshll.u32 s20, $0x6;
	s11 =	rddreg [dreg:$0x5]  }
0xf4: {  	s7 =	sor.u32 $0x1C01, s7;
	s10 =	rddreg [dreg:$0x17];
	s8 =	sshrl.u32 s11, $0x3  }
0xf5: {  	[hbm:s10@s0], [sflag:s7] =	dma.strided [spmem:s8@s12], $0x1400, s18, $0x8   }
0xf6: {  	s29 =	simm.s32 $0x280;
	s31 =	simm.s32 $0xD4A0;
	s7 =	rddreg [dreg:$0x11]  }
0xf7: {  	[tilespmem:s31], [sflag:$0x10] =	stream.strided.gather [spmem:s7], $0x2800, s3, s29, $0x38;
	[tilespmem:$0x1ECA0] =	vst v63  }
0xf8: {  	_ =	swait.ge [sflag:s0], $0x2800  }
0xf9: {  	[sflag:s0] =	ssyncset.done $0x0  }
0xfa: {  	s7 =	simm.s32 $0xE8A0;
	[sflag:s0] =	ssyncadd.s32 $0xFFFFD800  }
0xfb: {  	v3 =	vld [tilespmem:s7+$0xFFFFEE80]  }
0xfc: {  	s8 =	simm.s32 $0x0;
	s10 =	simm.s32 $0x10;
	v4 =	vld [tilespmem:s7+$0xFFFFEC00]  }
.LBB2_9:
0xfd: {  	p0 =	sne.s32 s10, $0x270  }
0xfe: {  	v5 =	vld [tilespmem:s7+$0xFFFFF100];
	_ =	sdelay $0x1  }
0xff: {  	v6 =	vld [tilespmem:s7+$0xFFFFF380]  }
0x100: {  	v3 =	vadd.f32 v3, v4  }
0x101: {  	v4 =	vld [tilespmem:s7+$0xFFFFF600]  }
0x102: {  	v3 =	vadd.f32 v5, v3  }
0x103: {  	v5 =	vld [tilespmem:s7+$0xFFFFF880]  }
0x104: {  	v3 =	vadd.f32 v6, v3  }
0x105: {  	v6 =	vld [tilespmem:s7+$0xFFFFFB00]  }
0x106: {  	v3 =	vadd.f32 v4, v3  }
0x107: {  	v4 =	vld [tilespmem:s7+$0xFFFFFD80]  }
0x108: {  	v3 =	vadd.f32 v5, v3  }
0x109: {  	v5 =	vld [tilespmem:s7+$0x0]  }
0x10a: {  	v3 =	vadd.f32 v6, v3  }
0x10b: {  	v6 =	vld [tilespmem:s7+$0x280]  }
0x10c: {  	v3 =	vadd.f32 v4, v3  }
0x10d: {  	v4 =	vld [tilespmem:s7+$0x500]  }
0x10e: {  	v3 =	vadd.f32 v5, v3  }
0x10f: {  	v5 =	vld [tilespmem:s7+$0x780]  }
0x110: {  	v3 =	vadd.f32 v6, v3  }
0x111: {  	v6 =	vld [tilespmem:s7+$0xA00]  }
0x112: {  	v3 =	vadd.f32 v4, v3  }
0x113: {  	v4 =	vld [tilespmem:s7+$0xC80]  }
0x114: {  	v3 =	vadd.f32 v5, v3  }
0x115: {  	v5 =	vld [tilespmem:s7+$0xF00]  }
0x116: {  	v3 =	vadd.f32 v6, v3  }
0x117: {  	v7 =	vmov s8;
	s8 =	smov.u32 s10;
	v6 =	vld [tilespmem:s7+$0x1180]  }
0x118: {  	v3 =	vadd.f32 v4, v3;
	v4 =	vshll.u32 v7, $0x4  }
0x119: {  	v4 =	vor.u32 v2, v4  }
0x11a: {  	v3 =	vadd.f32 v5, v3;
	_ =	sdelay $0x1  }
.Ltmp4:
0x11b: {  	v3 =	vadd.f32 v6, v3;
	(pc) =	sbr.rel @p0 .LBB2_9-.Ltmp4, $4  }
0x11c: {  	_ = 	snop  }
0x11d: {  	s7 =	sadd.s32 $0x10, s7;
	[tilespmem:v4+s26+$0x0] =	vst.idx.msk $0xffff, v3  }
0x11e: {  	v3 =	vld [tilespmem:s7+$0xFFFFEE80]  }
0x11f: {  	s10 =	sadd.s32 $0x10, s10;
	v4 =	vld [tilespmem:s7+$0xFFFFEC00]  }
0x120: {  	_ = 	snop  }
0x121: {  	v5 =	vld [tilespmem:s7+$0xFFFFF100];
	_ =	sdelay $0x1  }
0x122: {  	v6 =	vld [tilespmem:s7+$0xFFFFF380]  }
0x123: {  	v3 =	vadd.f32 v3, v4  }
0x124: {  	v51 =	vld [tilespmem:s7+$0xFFFFF600]  }
0x125: {  	v3 =	vadd.f32 v5, v3  }
0x126: {  	v52 =	vld [tilespmem:s7+$0xFFFFF880]  }
0x127: {  	v3 =	vadd.f32 v6, v3  }
0x128: {  	v53 =	vld [tilespmem:s7+$0xFFFFFB00]  }
0x129: {  	v3 =	vadd.f32 v51, v3  }
0x12a: {  	v54 =	vld [tilespmem:s7+$0xFFFFFD80]  }
0x12b: {  	v3 =	vadd.f32 v52, v3  }
0x12c: {  	v55 =	vld [tilespmem:s7+$0x0]  }
0x12d: {  	v3 =	vadd.f32 v53, v3  }
0x12e: {  	v56 =	vld [tilespmem:s7+$0x280]  }
0x12f: {  	v3 =	vadd.f32 v54, v3  }
0x130: {  	v57 =	vld [tilespmem:s7+$0x500]  }
0x131: {  	v3 =	vadd.f32 v55, v3  }
0x132: {  	v58 =	vld [tilespmem:s7+$0x780]  }
0x133: {  	v3 =	vadd.f32 v56, v3  }
0x134: {  	v59 =	vld [tilespmem:s7+$0xA00]  }
0x135: {  	v3 =	vadd.f32 v57, v3  }
0x136: {  	v60 =	vld [tilespmem:s7+$0xC80]  }
0x137: {  	v3 =	vadd.f32 v58, v3  }
0x138: {  	v61 =	vld [tilespmem:s7+$0xF00]  }
0x139: {  	v3 =	vadd.f32 v59, v3  }
0x13a: {  	v62 =	vld [tilespmem:s7+$0x1180];
	v7 =	vmov s8  }
0x13b: {  	v63 =	vshll.u32 v7, $0x4;
	v3 =	vadd.f32 v60, v3  }
0x13c: {  	v4 =	vor.u32 v2, v63  }
0x13d: {  	v3 =	vadd.f32 v61, v3;
	_ =	sdelay $0x1  }
0x13e: {  	v3 =	vadd.f32 v62, v3;
	_ =	sdelay $0x1  }
0x13f: {  	s12 =	rddreg [dreg:$0x18];
	s3 =	simm.s32 $0x80;
	[tilespmem:v4+s26+$0x0] =	vst.idx.msk $0xffff, v3  }
0x140: {  	[hbm4b:s12+s0] =	stream.strided.scatter [tilespmem:s26], [sflag:$0x10], $0x2800, s3, s0, $0x38;
	[tilespmem:$0x1ECA0] =	vst v63  }
0x141: {  	_ =	swait.ge [sflag:s0], $0x2800  }
0x142: {  	[sflag:s0] =	ssyncset.done $0x0  }
0x143: {  	[sflag:s0] =	ssyncadd.s32 $0xFFFFD800  }
0x144: {  	_ =	swait.ge [sflag:s18], $0x1400  }
0x145: {  	s13 =	rddreg [dreg:$0x1a]  }
0x146: {  	s20 =	rddreg [dreg:$0x19];
	s0 =	sadd.s32 $0x1, s13  }
0x147: {  	p0 =	sne.s32 s0, s20  }
.Ltmp5:
0x148: {  	_ = 	snop;
	(pc) =	sbr.rel @p0 .LBB2_1-.Ltmp5, $4  }
0x149: {  	_ = 	snop  }
0x14a: {  	s29 =	simm.s32 $0x27B0  }
0x14b: {  	s31 =	simm.s32 $0x64A0;
	s12 =	simm.s32 $0x50A0;
	[sflag:s18] =	ssyncset.done $0x0  }
0x14c: {  	[sflag:s18] =	ssyncadd.s32 $0xFFFFEC00;
	s13 =	simm.s32 $0x78A0;
	s20 =	simm.s32 $0x2850  }
0x14d: {  	_ =	sfence.sel $0x180000  }
0x14e: {  	[bflag:$0x0] =	sbarrier.arrive $0xFFFF  }
0x14f: {  	_ =	strace $0x90000047  }
0x150: {  	s0 =	stileid.u32;
	[bflag:$0x2] =	sbarrier.arrive $0xFFFF  }
0x151: {  	p0 =	sne.s32 s0, $0x0;
	s0 =	rddreg [dreg:$0x4]  }
0x152: {  	s0 =	sadd.s32 @!p0 $0x100000, s0  }
0x153: {  	[sflag:s0] =	ssyncadd.tile.s32 @!p0 $0x1;
	_ =	shalt  }
.Lfunc_end2:
_tile_overlayer_lowered:
.L_overlay_start_2:
0x154: {  	(tag) =	ssettag $0x2  }
0x155: {  	s0 =	rddreg [dreg:$0x0];
	s2 =	stileid.u32  }
0x156: {  	s1 =	rddreg [dreg:$0x1];
	p0 =	sne.s32 s2, $0x0  }
0x157: {  	s3 =	rddreg [dreg:$0x2];
	[bflag:$0x3] =	sbarrier.arrive $0xFFFF;
	s2 =	simm.s32 @!p0 $0x1C10  }
0x158: {  	[timem:s3], [sflag:s2] =	dma.local @!p0 [hbm:s0], s1  }
0x159: {  	s0 =	simm.s32 @!p0 $0x10  }
0x15a: {  	_ =	swait.ge @!p0 [sflag:s0], s1  }
0x15b: {  	s1 =	ssub.s32 @!p0 $0x0, s1;
	[sflag:s0] =	ssyncset.done @!p0 $0x0  }
0x15c: {  	[sflag:s0] =	ssyncadd.s32 @!p0 s1  }
0x15d: {  	[bflag:$0x3] =	sbarrier.arrive $0xFFFF  }
0x15e: {  	_ =	shalt  }

</sc_bundles>
